<compile_context>
chip_gen: v7x
topology: tpu7x:2x2x1
jax: 0.10.2.dev20260603
libtpu: 0.0.44.dev20260713+nightly
codegen_flags: <defaults>
</compile_context>

<pallas_src>
import functools

import jax
import jax.numpy as jnp
from jax import lax
from jax.experimental import pallas as pl
from jax.experimental.pallas import tpu as pltpu
from jax.experimental.pallas import tpu_sc as plsc

NUM_SENT = 8192
G = 128
GROUPS = 8
CHUNK = G * GROUPS


def _sc_gather_pool(token_ids_2d, segment_ids_2d, table):
    t_rows, g = token_ids_2d.shape
    assert g == G
    total = t_rows * G
    hidden = table.shape[1]

    info = plsc.get_sparse_core_info()
    nc, ns = info.num_cores, info.num_subcores
    nw = nc * ns
    assert total % (nw * CHUNK) == 0
    chunks_per_worker = total // (nw * CHUNK)
    rows_per_worker = t_rows // nw
    sent_per_tile = NUM_SENT // ns

    zeros_sum = jnp.zeros((sent_per_tile, hidden), jnp.float32)
    zeros_cnt = jnp.zeros((sent_per_tile, 16), jnp.float32)
    ones_blk = jnp.ones((G, 16), jnp.float32)

    mesh = plsc.VectorSubcoreMesh(core_axis_name="c", subcore_axis_name="s")

    @functools.partial(
        pl.kernel,
        mesh=mesh,
        compiler_params=pltpu.CompilerParams(use_tc_tiling_on_sc=False),
        out_type=[
            jax.ShapeDtypeStruct((total, hidden), jnp.float32),
            jax.ShapeDtypeStruct((nc * NUM_SENT, hidden), jnp.float32),
            jax.ShapeDtypeStruct((nc * NUM_SENT, 16), jnp.float32),
        ],
        scratch_types=[
            pltpu.VMEM((GROUPS, G), jnp.int32),
            pltpu.VMEM((GROUPS, G), jnp.int32),
            pltpu.VMEM((CHUNK, hidden), jnp.float32),
            pltpu.VMEM((G, 16), jnp.float32),
            pltpu.VMEM_SHARED((NUM_SENT, hidden), jnp.float32),
            pltpu.VMEM_SHARED((NUM_SENT, 16), jnp.float32),
            pltpu.SemaphoreType.DMA,
        ],
    )
    def body(tok_hbm, seg_hbm, table_hbm, zs_hbm, zc_hbm, ones_hbm,
             out_tok, out_psum, out_pcnt,
             idx_v, seg_v, rows_v, ones_v, sums_sp, cnts_sp, gsem):
        c = lax.axis_index("c")
        s = lax.axis_index("s")
        wid = s * nc + c

        pltpu.sync_copy(zs_hbm, sums_sp.at[pl.ds(s * sent_per_tile, sent_per_tile)])
        pltpu.sync_copy(zc_hbm, cnts_sp.at[pl.ds(s * sent_per_tile, sent_per_tile)])
        pltpu.sync_copy(ones_hbm, ones_v)
        plsc.subcore_barrier()

        row_base = wid * rows_per_worker

        def chunk_body(k, carry):
            r0 = row_base + k * GROUPS
            pltpu.sync_copy(tok_hbm.at[pl.ds(r0, GROUPS)], idx_v)
            pltpu.sync_copy(seg_hbm.at[pl.ds(r0, GROUPS)], seg_v)
            descs = []
            for j in range(GROUPS):
                descs.append(
                    pltpu.async_copy(
                        table_hbm.at[idx_v.at[j]],
                        rows_v.at[pl.ds(j * G, G)],
                        gsem,
                    )
                )
            for d in descs:
                d.wait()
            pltpu.sync_copy(rows_v, out_tok.at[pl.ds(r0 * G, CHUNK)])
            for j in range(GROUPS):
                pltpu.sync_copy(rows_v.at[pl.ds(j * G, G)],
                                sums_sp.at[seg_v.at[j]], add=True)
                pltpu.sync_copy(ones_v, cnts_sp.at[seg_v.at[j]], add=True)
            return carry

        lax.fori_loop(0, chunks_per_worker, chunk_body, 0)

        plsc.subcore_barrier()
        off = c * NUM_SENT + s * sent_per_tile
        pltpu.sync_copy(sums_sp.at[pl.ds(s * sent_per_tile, sent_per_tile)],
                        out_psum.at[pl.ds(off, sent_per_tile)])
        pltpu.sync_copy(cnts_sp.at[pl.ds(s * sent_per_tile, sent_per_tile)],
                        out_pcnt.at[pl.ds(off, sent_per_tile)])

    return body(token_ids_2d, segment_ids_2d, table, zeros_sum, zeros_cnt,
                ones_blk)


def _combine(psum, pcnt, hidden):

    def body(ps_ref, pc_ref, sent_ref, glob_ref):
        sums = ps_ref[0:NUM_SENT, :] + ps_ref[NUM_SENT:2 * NUM_SENT, :]
        cnts = pc_ref[0:NUM_SENT, 0:1] + pc_ref[NUM_SENT:2 * NUM_SENT, 0:1]
        sent = jnp.where(cnts > 0.0, sums / jnp.maximum(cnts, 1.0), 0.0)
        sent_ref[...] = sent
        glob_ref[...] = jnp.sum(sent, axis=0, keepdims=True) * (1.0 / NUM_SENT)

    return pl.pallas_call(
        body,
        out_shape=[
            jax.ShapeDtypeStruct((NUM_SENT, hidden), jnp.float32),
            jax.ShapeDtypeStruct((1, hidden), jnp.float32),
        ],
    )(psum, pcnt)


def kernel(token_ids, segment_ids, table):
    t = token_ids.shape[0]
    hidden = table.shape[1]
    tok2d = token_ids.astype(jnp.int32).reshape(t // G, G)
    seg2d = segment_ids.astype(jnp.int32).reshape(t // G, G)
    token_repr, psum, pcnt = _sc_gather_pool(tok2d, seg2d, table)
    sentence_repr, global_repr = _combine(psum, pcnt, hidden)
    return token_repr, sentence_repr, global_repr.reshape(hidden)

# --- scband reference (transcript-rebuilt; emitter-appended) ---
"""Pipeline reference for scband-toy-sentence-encoder-21835613733436 (READ-ONLY COPY).

The authoritative reference and input builder live on the scoring server;
editing this copy changes nothing except your own understanding.
"""

import jax, jax.numpy as jnp
import numpy as np

VOCAB = 1000000
HIDDEN = 64
NUM_SENT = 8192
T = 819200


def setup_inputs(seed: int = 0) -> dict:
    key = jax.random.key(seed)
    k1, k2, k3 = jax.random.split(key, 3)
    token_ids = jax.random.randint(k1, (T,), 0, VOCAB)
    segment_ids = jnp.sort(jax.random.randint(k2, (T,), 0, NUM_SENT))
    table = jax.random.normal(k3, (VOCAB, HIDDEN), dtype=jnp.float32) * 0.02
    return {"token_ids": token_ids, "segment_ids": segment_ids, "table": table}


def reference(token_ids, segment_ids, table):
    # token_repr = self.embedding(token_ids)
    token_repr = jnp.take(table, token_ids, axis=0)
    # per-sentence mean of the tokens belonging to each sentence
    sums = jax.ops.segment_sum(token_repr, segment_ids, num_segments=NUM_SENT)
    counts = jax.ops.segment_sum(
        jnp.ones((token_ids.shape[0], 1), dtype=token_repr.dtype),
        segment_ids,
        num_segments=NUM_SENT,
    )
    # sentences with zero tokens get a zero vector (as in the torch module)
    sentence_repr = jnp.where(counts > 0, sums / jnp.maximum(counts, 1.0), 0.0)
    # global_repr = sentence_repr.mean(dim=0)
    global_repr = sentence_repr.mean(axis=0)
    return token_repr, sentence_repr, global_repr

if __name__ == "__main__":
    import jax
    _d = setup_inputs()
    print(jax.jit(kernel)(*tuple(_d.values())))

</pallas_src>

<mosaic_0001>
#map = affine_map<(d0, d1) -> (0, 0)>
module attributes {stable_mosaic.version = 14 : i64} {
  func.func @body(%arg0: i32, %arg1: i32, %arg2: memref<6400x128xi32, #tpu.memory_space<hbm>>, %arg3: memref<6400x128xi32, #tpu.memory_space<hbm>>, %arg4: memref<1000000x64xf32, #tpu.memory_space<hbm>>, %arg5: memref<512x64xf32, #tpu.memory_space<hbm>>, %arg6: memref<512x16xf32, #tpu.memory_space<hbm>>, %arg7: memref<128x16xf32, #tpu.memory_space<hbm>>, %arg8: memref<819200x64xf32, #tpu.memory_space<hbm>>, %arg9: memref<16384x64xf32, #tpu.memory_space<hbm>>, %arg10: memref<16384x16xf32, #tpu.memory_space<hbm>>, %arg11: memref<8x128xi32, #tpu.memory_space<vmem>>, %arg12: memref<8x128xi32, #tpu.memory_space<vmem>>, %arg13: memref<1024x64xf32, #tpu.memory_space<vmem>>, %arg14: memref<128x16xf32, #tpu.memory_space<vmem>>, %arg15: memref<8192x64xf32, #tpu.memory_space<vmem_shared>>, %arg16: memref<8192x16xf32, #tpu.memory_space<vmem_shared>>, %arg17: memref<!tpu.dma_semaphore, #tpu.memory_space<semaphore_mem>>) attributes {dimension_semantics = [#tpu.dimension_semantics<core_parallel>, #tpu.dimension_semantics<subcore_parallel>], iteration_bounds = array<i64: 2, 16>, scalar_prefetch = 0 : i64, scratch_operands = 7 : i64, tpu.core_type = #tpu.core_type<sc_vector_subcore>, window_params = [{transform_indices = #map}, {transform_indices = #map}, {transform_indices = #map}, {transform_indices = #map}, {transform_indices = #map}, {transform_indices = #map}, {transform_indices = #map}, {transform_indices = #map}, {transform_indices = #map}]} {
    %mul3A = arith.constant 2 : i32
    %mul3A_0 = arith.muli %arg1, %mul3A : i32
    %add3A = arith.addi %mul3A_0, %arg0 : i32
    %mul3A_1 = arith.constant 512 : i32
    %mul3A_2 = arith.muli %arg1, %mul3A_1 : i32
    "tpu.region"() ({
      %run_scoped3A = tpu.sem_alloc : memref<!tpu.dma_semaphore, #tpu.memory_space<semaphore_mem>>
      %dma_start3A = arith.constant 0 : i32
      %dma_start3A_22 = tpu.memref_slice %arg15[%mul3A_2, %dma_start3A] : memref<8192x64xf32, #tpu.memory_space<vmem_shared>> -> memref<512x64xf32, #tpu.memory_space<vmem_shared>>
      tpu.enqueue_dma source(%arg5 : memref<512x64xf32, #tpu.memory_space<hbm>>) target(%dma_start3A_22 : memref<512x64xf32, #tpu.memory_space<vmem_shared>>) target_semaphore(%run_scoped3A : memref<!tpu.dma_semaphore, #tpu.memory_space<semaphore_mem>>)
      %dma_wait3A = arith.constant 0 : i32
      %dma_wait3A_23 = tpu.memref_slice %arg15[%mul3A_2, %dma_wait3A] : memref<8192x64xf32, #tpu.memory_space<vmem_shared>> -> memref<512x64xf32, #tpu.memory_space<vmem_shared>>
      tpu.wait_dma2 semaphore(%run_scoped3A : memref<!tpu.dma_semaphore, #tpu.memory_space<semaphore_mem>>) src(%arg5 : memref<512x64xf32, #tpu.memory_space<hbm>>) dst(%dma_wait3A_23 : memref<512x64xf32, #tpu.memory_space<vmem_shared>>)
      tpu.yield
    }) : () -> ()
    %mul3A_3 = arith.constant 512 : i32
    %mul3A_4 = arith.muli %arg1, %mul3A_3 : i32
    "tpu.region"() ({
      %run_scoped3A = tpu.sem_alloc : memref<!tpu.dma_semaphore, #tpu.memory_space<semaphore_mem>>
      %dma_start3A = arith.constant 0 : i32
      %dma_start3A_22 = tpu.memref_slice %arg16[%mul3A_4, %dma_start3A] : memref<8192x16xf32, #tpu.memory_space<vmem_shared>> -> memref<512x16xf32, #tpu.memory_space<vmem_shared>>
      tpu.enqueue_dma source(%arg6 : memref<512x16xf32, #tpu.memory_space<hbm>>) target(%dma_start3A_22 : memref<512x16xf32, #tpu.memory_space<vmem_shared>>) target_semaphore(%run_scoped3A : memref<!tpu.dma_semaphore, #tpu.memory_space<semaphore_mem>>)
      %dma_wait3A = arith.constant 0 : i32
      %dma_wait3A_23 = tpu.memref_slice %arg16[%mul3A_4, %dma_wait3A] : memref<8192x16xf32, #tpu.memory_space<vmem_shared>> -> memref<512x16xf32, #tpu.memory_space<vmem_shared>>
      tpu.wait_dma2 semaphore(%run_scoped3A : memref<!tpu.dma_semaphore, #tpu.memory_space<semaphore_mem>>) src(%arg6 : memref<512x16xf32, #tpu.memory_space<hbm>>) dst(%dma_wait3A_23 : memref<512x16xf32, #tpu.memory_space<vmem_shared>>)
      tpu.yield
    }) : () -> ()
    "tpu.region"() ({
      %run_scoped3A = tpu.sem_alloc : memref<!tpu.dma_semaphore, #tpu.memory_space<semaphore_mem>>
      tpu.enqueue_dma source(%arg7 : memref<128x16xf32, #tpu.memory_space<hbm>>) target(%arg14 : memref<128x16xf32, #tpu.memory_space<vmem>>) target_semaphore(%run_scoped3A : memref<!tpu.dma_semaphore, #tpu.memory_space<semaphore_mem>>)
      tpu.wait_dma2 semaphore(%run_scoped3A : memref<!tpu.dma_semaphore, #tpu.memory_space<semaphore_mem>>) src(%arg7 : memref<128x16xf32, #tpu.memory_space<hbm>>) dst(%arg14 : memref<128x16xf32, #tpu.memory_space<vmem>>)
      tpu.yield
    }) : () -> ()
    %barrier3A = arith.constant 0 : index
    tpu.barrier barrier_id(%barrier3A)
    %mul3A_5 = arith.constant 200 : i32
    %mul3A_6 = arith.muli %add3A, %mul3A_5 : i32
    %scan3A = arith.constant 0 : i32
    %scan3A_7 = arith.constant 0 : i32
    %scan3A_8 = arith.constant 25 : i32
    %scan3A_9 = arith.addi %scan3A_7, %scan3A_8 : i32
    %scan3A_10 = arith.constant 1 : i32
    scf.for %scan3A_22 = %scan3A_7 to %scan3A_9 step %scan3A_10  : i32 {
      %mul3A_23 = arith.constant 8 : i32
      %mul3A_24 = arith.muli %scan3A_22, %mul3A_23 : i32
      %add3A_25 = arith.addi %mul3A_6, %mul3A_24 : i32
      "tpu.region"() ({
        %run_scoped3A_201 = tpu.sem_alloc : memref<!tpu.dma_semaphore, #tpu.memory_space<semaphore_mem>>
        %dma_start3A_202 = arith.constant 0 : i32
        %dma_start3A_203 = tpu.memref_slice %arg2[%add3A_25, %dma_start3A_202] : memref<6400x128xi32, #tpu.memory_space<hbm>> -> memref<8x128xi32, #tpu.memory_space<hbm>>
        %dma_start3A_204 = arith.constant 0 : i32
        %dma_start3A_205 = tpu.memref_slice %arg2[%add3A_25, %dma_start3A_204] : memref<6400x128xi32, #tpu.memory_space<hbm>> -> memref<8x128xi32, #tpu.memory_space<hbm>>
        tpu.enqueue_dma source(%dma_start3A_205 : memref<8x128xi32, #tpu.memory_space<hbm>>) target(%arg11 : memref<8x128xi32, #tpu.memory_space<vmem>>) target_semaphore(%run_scoped3A_201 : memref<!tpu.dma_semaphore, #tpu.memory_space<semaphore_mem>>)
        %dma_wait3A_206 = arith.constant 0 : i32
        %dma_wait3A_207 = tpu.memref_slice %arg2[%add3A_25, %dma_wait3A_206] : memref<6400x128xi32, #tpu.memory_space<hbm>> -> memref<8x128xi32, #tpu.memory_space<hbm>>
        %dma_wait3A_208 = arith.constant 0 : i32
        %dma_wait3A_209 = tpu.memref_slice %arg2[%add3A_25, %dma_wait3A_208] : memref<6400x128xi32, #tpu.memory_space<hbm>> -> memref<8x128xi32, #tpu.memory_space<hbm>>
        tpu.wait_dma2 semaphore(%run_scoped3A_201 : memref<!tpu.dma_semaphore, #tpu.memory_space<semaphore_mem>>) src(%dma_wait3A_209 : memref<8x128xi32, #tpu.memory_space<hbm>>) dst(%arg11 : memref<8x128xi32, #tpu.memory_space<vmem>>)
        tpu.yield
      }) : () -> ()
      "tpu.region"() ({
        %run_scoped3A_201 = tpu.sem_alloc : memref<!tpu.dma_semaphore, #tpu.memory_space<semaphore_mem>>
        %dma_start3A_202 = arith.constant 0 : i32
        %dma_start3A_203 = tpu.memref_slice %arg3[%add3A_25, %dma_start3A_202] : memref<6400x128xi32, #tpu.memory_space<hbm>> -> memref<8x128xi32, #tpu.memory_space<hbm>>
        %dma_start3A_204 = arith.constant 0 : i32
        %dma_start3A_205 = tpu.memref_slice %arg3[%add3A_25, %dma_start3A_204] : memref<6400x128xi32, #tpu.memory_space<hbm>> -> memref<8x128xi32, #tpu.memory_space<hbm>>
        tpu.enqueue_dma source(%dma_start3A_205 : memref<8x128xi32, #tpu.memory_space<hbm>>) target(%arg12 : memref<8x128xi32, #tpu.memory_space<vmem>>) target_semaphore(%run_scoped3A_201 : memref<!tpu.dma_semaphore, #tpu.memory_space<semaphore_mem>>)
        %dma_wait3A_206 = arith.constant 0 : i32
        %dma_wait3A_207 = tpu.memref_slice %arg3[%add3A_25, %dma_wait3A_206] : memref<6400x128xi32, #tpu.memory_space<hbm>> -> memref<8x128xi32, #tpu.memory_space<hbm>>
        %dma_wait3A_208 = arith.constant 0 : i32
        %dma_wait3A_209 = tpu.memref_slice %arg3[%add3A_25, %dma_wait3A_208] : memref<6400x128xi32, #tpu.memory_space<hbm>> -> memref<8x128xi32, #tpu.memory_space<hbm>>
        tpu.wait_dma2 semaphore(%run_scoped3A_201 : memref<!tpu.dma_semaphore, #tpu.memory_space<semaphore_mem>>) src(%dma_wait3A_209 : memref<8x128xi32, #tpu.memory_space<hbm>>) dst(%arg12 : memref<8x128xi32, #tpu.memory_space<vmem>>)
        tpu.yield
      }) : () -> ()
      %dma_start3A = arith.constant 0 : i32
      %dma_start3A_26 = arith.constant 0 : i32
      %dma_start3A_27 = arith.constant 0 : i32
      %dma_start3A_28 = tpu.memref_slice %arg13[%dma_start3A_26, %dma_start3A_27] : memref<1024x64xf32, #tpu.memory_space<vmem>> -> memref<128x64xf32, #tpu.memory_space<vmem>>
      %dma_start3A_29 = arith.constant 0 : i32
      %dma_start3A_30 = tpu.memref_slice %arg11[%dma_start3A, %dma_start3A_29] : memref<8x128xi32, #tpu.memory_space<vmem>> -> memref<1x128xi32, #tpu.memory_space<vmem>>
      %dma_start3A_31 = tpu.memref_squeeze %dma_start3A_30 : memref<1x128xi32, #tpu.memory_space<vmem>> -> memref<128xi32, #tpu.memory_space<vmem>>
      %dma_start3A_32 = arith.constant 0 : i32
      %dma_start3A_33 = arith.constant 0 : i32
      %dma_start3A_34 = tpu.memref_slice %arg4[%dma_start3A_32, %dma_start3A_33] : memref<1000000x64xf32, #tpu.memory_space<hbm>> -> memref<1000000x64xf32, #tpu.memory_space<hbm>>
      tpu.enqueue_indirect_dma source(%dma_start3A_34 : memref<1000000x64xf32, #tpu.memory_space<hbm>>) target(%dma_start3A_28 : memref<128x64xf32, #tpu.memory_space<vmem>>) offsets(%dma_start3A_31 : memref<128xi32, #tpu.memory_space<vmem>>) semaphore(%arg17 : memref<!tpu.dma_semaphore, #tpu.memory_space<semaphore_mem>>)
      %dma_start3A_35 = arith.constant 1 : i32
      %dma_start3A_36 = arith.constant 128 : i32
      %dma_start3A_37 = arith.constant 0 : i32
      %dma_start3A_38 = tpu.memref_slice %arg13[%dma_start3A_36, %dma_start3A_37] : memref<1024x64xf32, #tpu.memory_space<vmem>> -> memref<128x64xf32, #tpu.memory_space<vmem>>
      %dma_start3A_39 = arith.constant 0 : i32
      %dma_start3A_40 = tpu.memref_slice %arg11[%dma_start3A_35, %dma_start3A_39] : memref<8x128xi32, #tpu.memory_space<vmem>> -> memref<1x128xi32, #tpu.memory_space<vmem>>
      %dma_start3A_41 = tpu.memref_squeeze %dma_start3A_40 : memref<1x128xi32, #tpu.memory_space<vmem>> -> memref<128xi32, #tpu.memory_space<vmem>>
      %dma_start3A_42 = arith.constant 0 : i32
      %dma_start3A_43 = arith.constant 0 : i32
      %dma_start3A_44 = tpu.memref_slice %arg4[%dma_start3A_42, %dma_start3A_43] : memref<1000000x64xf32, #tpu.memory_space<hbm>> -> memref<1000000x64xf32, #tpu.memory_space<hbm>>
      tpu.enqueue_indirect_dma source(%dma_start3A_44 : memref<1000000x64xf32, #tpu.memory_space<hbm>>) target(%dma_start3A_38 : memref<128x64xf32, #tpu.memory_space<vmem>>) offsets(%dma_start3A_41 : memref<128xi32, #tpu.memory_space<vmem>>) semaphore(%arg17 : memref<!tpu.dma_semaphore, #tpu.memory_space<semaphore_mem>>)
      %dma_start3A_45 = arith.constant 2 : i32
      %dma_start3A_46 = arith.constant 256 : i32
      %dma_start3A_47 = arith.constant 0 : i32
      %dma_start3A_48 = tpu.memref_slice %arg13[%dma_start3A_46, %dma_start3A_47] : memref<1024x64xf32, #tpu.memory_space<vmem>> -> memref<128x64xf32, #tpu.memory_space<vmem>>
      %dma_start3A_49 = arith.constant 0 : i32
      %dma_start3A_50 = tpu.memref_slice %arg11[%dma_start3A_45, %dma_start3A_49] : memref<8x128xi32, #tpu.memory_space<vmem>> -> memref<1x128xi32, #tpu.memory_space<vmem>>
      %dma_start3A_51 = tpu.memref_squeeze %dma_start3A_50 : memref<1x128xi32, #tpu.memory_space<vmem>> -> memref<128xi32, #tpu.memory_space<vmem>>
      %dma_start3A_52 = arith.constant 0 : i32
      %dma_start3A_53 = arith.constant 0 : i32
      %dma_start3A_54 = tpu.memref_slice %arg4[%dma_start3A_52, %dma_start3A_53] : memref<1000000x64xf32, #tpu.memory_space<hbm>> -> memref<1000000x64xf32, #tpu.memory_space<hbm>>
      tpu.enqueue_indirect_dma source(%dma_start3A_54 : memref<1000000x64xf32, #tpu.memory_space<hbm>>) target(%dma_start3A_48 : memref<128x64xf32, #tpu.memory_space<vmem>>) offsets(%dma_start3A_51 : memref<128xi32, #tpu.memory_space<vmem>>) semaphore(%arg17 : memref<!tpu.dma_semaphore, #tpu.memory_space<semaphore_mem>>)
      %dma_start3A_55 = arith.constant 3 : i32
      %dma_start3A_56 = arith.constant 384 : i32
      %dma_start3A_57 = arith.constant 0 : i32
      %dma_start3A_58 = tpu.memref_slice %arg13[%dma_start3A_56, %dma_start3A_57] : memref<1024x64xf32, #tpu.memory_space<vmem>> -> memref<128x64xf32, #tpu.memory_space<vmem>>
      %dma_start3A_59 = arith.constant 0 : i32
      %dma_start3A_60 = tpu.memref_slice %arg11[%dma_start3A_55, %dma_start3A_59] : memref<8x128xi32, #tpu.memory_space<vmem>> -> memref<1x128xi32, #tpu.memory_space<vmem>>
      %dma_start3A_61 = tpu.memref_squeeze %dma_start3A_60 : memref<1x128xi32, #tpu.memory_space<vmem>> -> memref<128xi32, #tpu.memory_space<vmem>>
      %dma_start3A_62 = arith.constant 0 : i32
      %dma_start3A_63 = arith.constant 0 : i32
      %dma_start3A_64 = tpu.memref_slice %arg4[%dma_start3A_62, %dma_start3A_63] : memref<1000000x64xf32, #tpu.memory_space<hbm>> -> memref<1000000x64xf32, #tpu.memory_space<hbm>>
      tpu.enqueue_indirect_dma source(%dma_start3A_64 : memref<1000000x64xf32, #tpu.memory_space<hbm>>) target(%dma_start3A_58 : memref<128x64xf32, #tpu.memory_space<vmem>>) offsets(%dma_start3A_61 : memref<128xi32, #tpu.memory_space<vmem>>) semaphore(%arg17 : memref<!tpu.dma_semaphore, #tpu.memory_space<semaphore_mem>>)
      %dma_start3A_65 = arith.constant 4 : i32
      %dma_start3A_66 = arith.constant 512 : i32
      %dma_start3A_67 = arith.constant 0 : i32
      %dma_start3A_68 = tpu.memref_slice %arg13[%dma_start3A_66, %dma_start3A_67] : memref<1024x64xf32, #tpu.memory_space<vmem>> -> memref<128x64xf32, #tpu.memory_space<vmem>>
      %dma_start3A_69 = arith.constant 0 : i32
      %dma_start3A_70 = tpu.memref_slice %arg11[%dma_start3A_65, %dma_start3A_69] : memref<8x128xi32, #tpu.memory_space<vmem>> -> memref<1x128xi32, #tpu.memory_space<vmem>>
      %dma_start3A_71 = tpu.memref_squeeze %dma_start3A_70 : memref<1x128xi32, #tpu.memory_space<vmem>> -> memref<128xi32, #tpu.memory_space<vmem>>
      %dma_start3A_72 = arith.constant 0 : i32
      %dma_start3A_73 = arith.constant 0 : i32
      %dma_start3A_74 = tpu.memref_slice %arg4[%dma_start3A_72, %dma_start3A_73] : memref<1000000x64xf32, #tpu.memory_space<hbm>> -> memref<1000000x64xf32, #tpu.memory_space<hbm>>
      tpu.enqueue_indirect_dma source(%dma_start3A_74 : memref<1000000x64xf32, #tpu.memory_space<hbm>>) target(%dma_start3A_68 : memref<128x64xf32, #tpu.memory_space<vmem>>) offsets(%dma_start3A_71 : memref<128xi32, #tpu.memory_space<vmem>>) semaphore(%arg17 : memref<!tpu.dma_semaphore, #tpu.memory_space<semaphore_mem>>)
      %dma_start3A_75 = arith.constant 5 : i32
      %dma_start3A_76 = arith.constant 640 : i32
      %dma_start3A_77 = arith.constant 0 : i32
      %dma_start3A_78 = tpu.memref_slice %arg13[%dma_start3A_76, %dma_start3A_77] : memref<1024x64xf32, #tpu.memory_space<vmem>> -> memref<128x64xf32, #tpu.memory_space<vmem>>
      %dma_start3A_79 = arith.constant 0 : i32
      %dma_start3A_80 = tpu.memref_slice %arg11[%dma_start3A_75, %dma_start3A_79] : memref<8x128xi32, #tpu.memory_space<vmem>> -> memref<1x128xi32, #tpu.memory_space<vmem>>
      %dma_start3A_81 = tpu.memref_squeeze %dma_start3A_80 : memref<1x128xi32, #tpu.memory_space<vmem>> -> memref<128xi32, #tpu.memory_space<vmem>>
      %dma_start3A_82 = arith.constant 0 : i32
      %dma_start3A_83 = arith.constant 0 : i32
      %dma_start3A_84 = tpu.memref_slice %arg4[%dma_start3A_82, %dma_start3A_83] : memref<1000000x64xf32, #tpu.memory_space<hbm>> -> memref<1000000x64xf32, #tpu.memory_space<hbm>>
      tpu.enqueue_indirect_dma source(%dma_start3A_84 : memref<1000000x64xf32, #tpu.memory_space<hbm>>) target(%dma_start3A_78 : memref<128x64xf32, #tpu.memory_space<vmem>>) offsets(%dma_start3A_81 : memref<128xi32, #tpu.memory_space<vmem>>) semaphore(%arg17 : memref<!tpu.dma_semaphore, #tpu.memory_space<semaphore_mem>>)
      %dma_start3A_85 = arith.constant 6 : i32
      %dma_start3A_86 = arith.constant 768 : i32
      %dma_start3A_87 = arith.constant 0 : i32
      %dma_start3A_88 = tpu.memref_slice %arg13[%dma_start3A_86, %dma_start3A_87] : memref<1024x64xf32, #tpu.memory_space<vmem>> -> memref<128x64xf32, #tpu.memory_space<vmem>>
      %dma_start3A_89 = arith.constant 0 : i32
      %dma_start3A_90 = tpu.memref_slice %arg11[%dma_start3A_85, %dma_start3A_89] : memref<8x128xi32, #tpu.memory_space<vmem>> -> memref<1x128xi32, #tpu.memory_space<vmem>>
      %dma_start3A_91 = tpu.memref_squeeze %dma_start3A_90 : memref<1x128xi32, #tpu.memory_space<vmem>> -> memref<128xi32, #tpu.memory_space<vmem>>
      %dma_start3A_92 = arith.constant 0 : i32
      %dma_start3A_93 = arith.constant 0 : i32
      %dma_start3A_94 = tpu.memref_slice %arg4[%dma_start3A_92, %dma_start3A_93] : memref<1000000x64xf32, #tpu.memory_space<hbm>> -> memref<1000000x64xf32, #tpu.memory_space<hbm>>
      tpu.enqueue_indirect_dma source(%dma_start3A_94 : memref<1000000x64xf32, #tpu.memory_space<hbm>>) target(%dma_start3A_88 : memref<128x64xf32, #tpu.memory_space<vmem>>) offsets(%dma_start3A_91 : memref<128xi32, #tpu.memory_space<vmem>>) semaphore(%arg17 : memref<!tpu.dma_semaphore, #tpu.memory_space<semaphore_mem>>)
      %dma_start3A_95 = arith.constant 7 : i32
      %dma_start3A_96 = arith.constant 896 : i32
      %dma_start3A_97 = arith.constant 0 : i32
      %dma_start3A_98 = tpu.memref_slice %arg13[%dma_start3A_96, %dma_start3A_97] : memref<1024x64xf32, #tpu.memory_space<vmem>> -> memref<128x64xf32, #tpu.memory_space<vmem>>
      %dma_start3A_99 = arith.constant 0 : i32
      %dma_start3A_100 = tpu.memref_slice %arg11[%dma_start3A_95, %dma_start3A_99] : memref<8x128xi32, #tpu.memory_space<vmem>> -> memref<1x128xi32, #tpu.memory_space<vmem>>
      %dma_start3A_101 = tpu.memref_squeeze %dma_start3A_100 : memref<1x128xi32, #tpu.memory_space<vmem>> -> memref<128xi32, #tpu.memory_space<vmem>>
      %dma_start3A_102 = arith.constant 0 : i32
      %dma_start3A_103 = arith.constant 0 : i32
      %dma_start3A_104 = tpu.memref_slice %arg4[%dma_start3A_102, %dma_start3A_103] : memref<1000000x64xf32, #tpu.memory_space<hbm>> -> memref<1000000x64xf32, #tpu.memory_space<hbm>>
      tpu.enqueue_indirect_dma source(%dma_start3A_104 : memref<1000000x64xf32, #tpu.memory_space<hbm>>) target(%dma_start3A_98 : memref<128x64xf32, #tpu.memory_space<vmem>>) offsets(%dma_start3A_101 : memref<128xi32, #tpu.memory_space<vmem>>) semaphore(%arg17 : memref<!tpu.dma_semaphore, #tpu.memory_space<semaphore_mem>>)
      %dma_wait3A = arith.constant 0 : i32
      %dma_wait3A_105 = arith.constant 0 : i32
      %dma_wait3A_106 = arith.constant 0 : i32
      %dma_wait3A_107 = tpu.memref_slice %arg13[%dma_wait3A_105, %dma_wait3A_106] : memref<1024x64xf32, #tpu.memory_space<vmem>> -> memref<128x64xf32, #tpu.memory_space<vmem>>
      %dma_wait3A_108 = arith.constant 0 : i32
      %dma_wait3A_109 = tpu.memref_slice %arg11[%dma_wait3A, %dma_wait3A_108] : memref<8x128xi32, #tpu.memory_space<vmem>> -> memref<1x128xi32, #tpu.memory_space<vmem>>
      %dma_wait3A_110 = tpu.memref_squeeze %dma_wait3A_109 : memref<1x128xi32, #tpu.memory_space<vmem>> -> memref<128xi32, #tpu.memory_space<vmem>>
      %dma_wait3A_111 = arith.constant 0 : i32
      %dma_wait3A_112 = arith.constant 0 : i32
      %dma_wait3A_113 = tpu.memref_slice %arg4[%dma_wait3A_111, %dma_wait3A_112] : memref<1000000x64xf32, #tpu.memory_space<hbm>> -> memref<1000000x64xf32, #tpu.memory_space<hbm>>
      tpu.wait_indirect_dma semaphore(%arg17 : memref<!tpu.dma_semaphore, #tpu.memory_space<semaphore_mem>>) src(%dma_wait3A_113 : memref<1000000x64xf32, #tpu.memory_space<hbm>>) dst(%dma_wait3A_107 : memref<128x64xf32, #tpu.memory_space<vmem>>)
      %dma_wait3A_114 = arith.constant 1 : i32
      %dma_wait3A_115 = arith.constant 128 : i32
      %dma_wait3A_116 = arith.constant 0 : i32
      %dma_wait3A_117 = tpu.memref_slice %arg13[%dma_wait3A_115, %dma_wait3A_116] : memref<1024x64xf32, #tpu.memory_space<vmem>> -> memref<128x64xf32, #tpu.memory_space<vmem>>
      %dma_wait3A_118 = arith.constant 0 : i32
      %dma_wait3A_119 = tpu.memref_slice %arg11[%dma_wait3A_114, %dma_wait3A_118] : memref<8x128xi32, #tpu.memory_space<vmem>> -> memref<1x128xi32, #tpu.memory_space<vmem>>
      %dma_wait3A_120 = tpu.memref_squeeze %dma_wait3A_119 : memref<1x128xi32, #tpu.memory_space<vmem>> -> memref<128xi32, #tpu.memory_space<vmem>>
      %dma_wait3A_121 = arith.constant 0 : i32
      %dma_wait3A_122 = arith.constant 0 : i32
      %dma_wait3A_123 = tpu.memref_slice %arg4[%dma_wait3A_121, %dma_wait3A_122] : memref<1000000x64xf32, #tpu.memory_space<hbm>> -> memref<1000000x64xf32, #tpu.memory_space<hbm>>
      tpu.wait_indirect_dma semaphore(%arg17 : memref<!tpu.dma_semaphore, #tpu.memory_space<semaphore_mem>>) src(%dma_wait3A_123 : memref<1000000x64xf32, #tpu.memory_space<hbm>>) dst(%dma_wait3A_117 : memref<128x64xf32, #tpu.memory_space<vmem>>)
      %dma_wait3A_124 = arith.constant 2 : i32
      %dma_wait3A_125 = arith.constant 256 : i32
      %dma_wait3A_126 = arith.constant 0 : i32
      %dma_wait3A_127 = tpu.memref_slice %arg13[%dma_wait3A_125, %dma_wait3A_126] : memref<1024x64xf32, #tpu.memory_space<vmem>> -> memref<128x64xf32, #tpu.memory_space<vmem>>
      %dma_wait3A_128 = arith.constant 0 : i32
      %dma_wait3A_129 = tpu.memref_slice %arg11[%dma_wait3A_124, %dma_wait3A_128] : memref<8x128xi32, #tpu.memory_space<vmem>> -> memref<1x128xi32, #tpu.memory_space<vmem>>
      %dma_wait3A_130 = tpu.memref_squeeze %dma_wait3A_129 : memref<1x128xi32, #tpu.memory_space<vmem>> -> memref<128xi32, #tpu.memory_space<vmem>>
      %dma_wait3A_131 = arith.constant 0 : i32
      %dma_wait3A_132 = arith.constant 0 : i32
      %dma_wait3A_133 = tpu.memref_slice %arg4[%dma_wait3A_131, %dma_wait3A_132] : memref<1000000x64xf32, #tpu.memory_space<hbm>> -> memref<1000000x64xf32, #tpu.memory_space<hbm>>
      tpu.wait_indirect_dma semaphore(%arg17 : memref<!tpu.dma_semaphore, #tpu.memory_space<semaphore_mem>>) src(%dma_wait3A_133 : memref<1000000x64xf32, #tpu.memory_space<hbm>>) dst(%dma_wait3A_127 : memref<128x64xf32, #tpu.memory_space<vmem>>)
      %dma_wait3A_134 = arith.constant 3 : i32
      %dma_wait3A_135 = arith.constant 384 : i32
      %dma_wait3A_136 = arith.constant 0 : i32
      %dma_wait3A_137 = tpu.memref_slice %arg13[%dma_wait3A_135, %dma_wait3A_136] : memref<1024x64xf32, #tpu.memory_space<vmem>> -> memref<128x64xf32, #tpu.memory_space<vmem>>
      %dma_wait3A_138 = arith.constant 0 : i32
      %dma_wait3A_139 = tpu.memref_slice %arg11[%dma_wait3A_134, %dma_wait3A_138] : memref<8x128xi32, #tpu.memory_space<vmem>> -> memref<1x128xi32, #tpu.memory_space<vmem>>
      %dma_wait3A_140 = tpu.memref_squeeze %dma_wait3A_139 : memref<1x128xi32, #tpu.memory_space<vmem>> -> memref<128xi32, #tpu.memory_space<vmem>>
      %dma_wait3A_141 = arith.constant 0 : i32
      %dma_wait3A_142 = arith.constant 0 : i32
      %dma_wait3A_143 = tpu.memref_slice %arg4[%dma_wait3A_141, %dma_wait3A_142] : memref<1000000x64xf32, #tpu.memory_space<hbm>> -> memref<1000000x64xf32, #tpu.memory_space<hbm>>
      tpu.wait_indirect_dma semaphore(%arg17 : memref<!tpu.dma_semaphore, #tpu.memory_space<semaphore_mem>>) src(%dma_wait3A_143 : memref<1000000x64xf32, #tpu.memory_space<hbm>>) dst(%dma_wait3A_137 : memref<128x64xf32, #tpu.memory_space<vmem>>)
      %dma_wait3A_144 = arith.constant 4 : i32
      %dma_wait3A_145 = arith.constant 512 : i32
      %dma_wait3A_146 = arith.constant 0 : i32
      %dma_wait3A_147 = tpu.memref_slice %arg13[%dma_wait3A_145, %dma_wait3A_146] : memref<1024x64xf32, #tpu.memory_space<vmem>> -> memref<128x64xf32, #tpu.memory_space<vmem>>
      %dma_wait3A_148 = arith.constant 0 : i32
      %dma_wait3A_149 = tpu.memref_slice %arg11[%dma_wait3A_144, %dma_wait3A_148] : memref<8x128xi32, #tpu.memory_space<vmem>> -> memref<1x128xi32, #tpu.memory_space<vmem>>
      %dma_wait3A_150 = tpu.memref_squeeze %dma_wait3A_149 : memref<1x128xi32, #tpu.memory_space<vmem>> -> memref<128xi32, #tpu.memory_space<vmem>>
      %dma_wait3A_151 = arith.constant 0 : i32
      %dma_wait3A_152 = arith.constant 0 : i32
      %dma_wait3A_153 = tpu.memref_slice %arg4[%dma_wait3A_151, %dma_wait3A_152] : memref<1000000x64xf32, #tpu.memory_space<hbm>> -> memref<1000000x64xf32, #tpu.memory_space<hbm>>
      tpu.wait_indirect_dma semaphore(%arg17 : memref<!tpu.dma_semaphore, #tpu.memory_space<semaphore_mem>>) src(%dma_wait3A_153 : memref<1000000x64xf32, #tpu.memory_space<hbm>>) dst(%dma_wait3A_147 : memref<128x64xf32, #tpu.memory_space<vmem>>)
      %dma_wait3A_154 = arith.constant 5 : i32
      %dma_wait3A_155 = arith.constant 640 : i32
      %dma_wait3A_156 = arith.constant 0 : i32
      %dma_wait3A_157 = tpu.memref_slice %arg13[%dma_wait3A_155, %dma_wait3A_156] : memref<1024x64xf32, #tpu.memory_space<vmem>> -> memref<128x64xf32, #tpu.memory_space<vmem>>
      %dma_wait3A_158 = arith.constant 0 : i32
      %dma_wait3A_159 = tpu.memref_slice %arg11[%dma_wait3A_154, %dma_wait3A_158] : memref<8x128xi32, #tpu.memory_space<vmem>> -> memref<1x128xi32, #tpu.memory_space<vmem>>
      %dma_wait3A_160 = tpu.memref_squeeze %dma_wait3A_159 : memref<1x128xi32, #tpu.memory_space<vmem>> -> memref<128xi32, #tpu.memory_space<vmem>>
      %dma_wait3A_161 = arith.constant 0 : i32
      %dma_wait3A_162 = arith.constant 0 : i32
      %dma_wait3A_163 = tpu.memref_slice %arg4[%dma_wait3A_161, %dma_wait3A_162] : memref<1000000x64xf32, #tpu.memory_space<hbm>> -> memref<1000000x64xf32, #tpu.memory_space<hbm>>
      tpu.wait_indirect_dma semaphore(%arg17 : memref<!tpu.dma_semaphore, #tpu.memory_space<semaphore_mem>>) src(%dma_wait3A_163 : memref<1000000x64xf32, #tpu.memory_space<hbm>>) dst(%dma_wait3A_157 : memref<128x64xf32, #tpu.memory_space<vmem>>)
      %dma_wait3A_164 = arith.constant 6 : i32
      %dma_wait3A_165 = arith.constant 768 : i32
      %dma_wait3A_166 = arith.constant 0 : i32
      %dma_wait3A_167 = tpu.memref_slice %arg13[%dma_wait3A_165, %dma_wait3A_166] : memref<1024x64xf32, #tpu.memory_space<vmem>> -> memref<128x64xf32, #tpu.memory_space<vmem>>
      %dma_wait3A_168 = arith.constant 0 : i32
      %dma_wait3A_169 = tpu.memref_slice %arg11[%dma_wait3A_164, %dma_wait3A_168] : memref<8x128xi32, #tpu.memory_space<vmem>> -> memref<1x128xi32, #tpu.memory_space<vmem>>
      %dma_wait3A_170 = tpu.memref_squeeze %dma_wait3A_169 : memref<1x128xi32, #tpu.memory_space<vmem>> -> memref<128xi32, #tpu.memory_space<vmem>>
      %dma_wait3A_171 = arith.constant 0 : i32
      %dma_wait3A_172 = arith.constant 0 : i32
      %dma_wait3A_173 = tpu.memref_slice %arg4[%dma_wait3A_171, %dma_wait3A_172] : memref<1000000x64xf32, #tpu.memory_space<hbm>> -> memref<1000000x64xf32, #tpu.memory_space<hbm>>
      tpu.wait_indirect_dma semaphore(%arg17 : memref<!tpu.dma_semaphore, #tpu.memory_space<semaphore_mem>>) src(%dma_wait3A_173 : memref<1000000x64xf32, #tpu.memory_space<hbm>>) dst(%dma_wait3A_167 : memref<128x64xf32, #tpu.memory_space<vmem>>)
      %dma_wait3A_174 = arith.constant 7 : i32
      %dma_wait3A_175 = arith.constant 896 : i32
      %dma_wait3A_176 = arith.constant 0 : i32
      %dma_wait3A_177 = tpu.memref_slice %arg13[%dma_wait3A_175, %dma_wait3A_176] : memref<1024x64xf32, #tpu.memory_space<vmem>> -> memref<128x64xf32, #tpu.memory_space<vmem>>
      %dma_wait3A_178 = arith.constant 0 : i32
      %dma_wait3A_179 = tpu.memref_slice %arg11[%dma_wait3A_174, %dma_wait3A_178] : memref<8x128xi32, #tpu.memory_space<vmem>> -> memref<1x128xi32, #tpu.memory_space<vmem>>
      %dma_wait3A_180 = tpu.memref_squeeze %dma_wait3A_179 : memref<1x128xi32, #tpu.memory_space<vmem>> -> memref<128xi32, #tpu.memory_space<vmem>>
      %dma_wait3A_181 = arith.constant 0 : i32
      %dma_wait3A_182 = arith.constant 0 : i32
      %dma_wait3A_183 = tpu.memref_slice %arg4[%dma_wait3A_181, %dma_wait3A_182] : memref<1000000x64xf32, #tpu.memory_space<hbm>> -> memref<1000000x64xf32, #tpu.memory_space<hbm>>
      tpu.wait_indirect_dma semaphore(%arg17 : memref<!tpu.dma_semaphore, #tpu.memory_space<semaphore_mem>>) src(%dma_wait3A_183 : memref<1000000x64xf32, #tpu.memory_space<hbm>>) dst(%dma_wait3A_177 : memref<128x64xf32, #tpu.memory_space<vmem>>)
      %mul3A_184 = arith.constant 128 : i32
      %mul3A_185 = arith.muli %add3A_25, %mul3A_184 : i32
      "tpu.region"() ({
        %run_scoped3A_201 = tpu.sem_alloc : memref<!tpu.dma_semaphore, #tpu.memory_space<semaphore_mem>>
        %dma_start3A_202 = arith.constant 0 : i32
        %dma_start3A_203 = tpu.memref_slice %arg8[%mul3A_185, %dma_start3A_202] : memref<819200x64xf32, #tpu.memory_space<hbm>> -> memref<1024x64xf32, #tpu.memory_space<hbm>>
        %dma_start3A_204 = arith.constant 0 : i32
        %dma_start3A_205 = tpu.memref_slice %arg8[%mul3A_185, %dma_start3A_204] : memref<819200x64xf32, #tpu.memory_space<hbm>> -> memref<1024x64xf32, #tpu.memory_space<hbm>>
        tpu.enqueue_dma source(%arg13 : memref<1024x64xf32, #tpu.memory_space<vmem>>) target(%dma_start3A_205 : memref<1024x64xf32, #tpu.memory_space<hbm>>) target_semaphore(%run_scoped3A_201 : memref<!tpu.dma_semaphore, #tpu.memory_space<semaphore_mem>>)
        %dma_wait3A_206 = arith.constant 0 : i32
        %dma_wait3A_207 = tpu.memref_slice %arg8[%mul3A_185, %dma_wait3A_206] : memref<819200x64xf32, #tpu.memory_space<hbm>> -> memref<1024x64xf32, #tpu.memory_space<hbm>>
        %dma_wait3A_208 = arith.constant 0 : i32
        %dma_wait3A_209 = tpu.memref_slice %arg8[%mul3A_185, %dma_wait3A_208] : memref<819200x64xf32, #tpu.memory_space<hbm>> -> memref<1024x64xf32, #tpu.memory_space<hbm>>
        tpu.wait_dma2 semaphore(%run_scoped3A_201 : memref<!tpu.dma_semaphore, #tpu.memory_space<semaphore_mem>>) src(%arg13 : memref<1024x64xf32, #tpu.memory_space<vmem>>) dst(%dma_wait3A_209 : memref<1024x64xf32, #tpu.memory_space<hbm>>)
        tpu.yield
      }) : () -> ()
      %run_scoped3A = arith.constant 0 : i32
      "tpu.region"() ({
        %run_scoped3A_201 = tpu.sem_alloc : memref<!tpu.dma_semaphore, #tpu.memory_space<semaphore_mem>>
        %dma_start3A_202 = arith.constant 0 : i32
        %dma_start3A_203 = arith.constant 0 : i32
        %dma_start3A_204 = tpu.memref_slice %arg13[%dma_start3A_202, %dma_start3A_203] : memref<1024x64xf32, #tpu.memory_space<vmem>> -> memref<128x64xf32, #tpu.memory_space<vmem>>
        %dma_start3A_205 = arith.constant 0 : i32
        %dma_start3A_206 = tpu.memref_slice %arg12[%run_scoped3A, %dma_start3A_205] : memref<8x128xi32, #tpu.memory_space<vmem>> -> memref<1x128xi32, #tpu.memory_space<vmem>>
        %dma_start3A_207 = tpu.memref_squeeze %dma_start3A_206 : memref<1x128xi32, #tpu.memory_space<vmem>> -> memref<128xi32, #tpu.memory_space<vmem>>
        %dma_start3A_208 = arith.constant 0 : i32
        %dma_start3A_209 = arith.constant 0 : i32
        %dma_start3A_210 = tpu.memref_slice %arg15[%dma_start3A_208, %dma_start3A_209] : memref<8192x64xf32, #tpu.memory_space<vmem_shared>> -> memref<8192x64xf32, #tpu.memory_space<vmem_shared>>
        tpu.enqueue_indirect_dma source(%dma_start3A_204 : memref<128x64xf32, #tpu.memory_space<vmem>>) target(%dma_start3A_210 : memref<8192x64xf32, #tpu.memory_space<vmem_shared>>) offsets(%dma_start3A_207 : memref<128xi32, #tpu.memory_space<vmem>>) semaphore(%run_scoped3A_201 : memref<!tpu.dma_semaphore, #tpu.memory_space<semaphore_mem>>) {add = true}
        %dma_wait3A_211 = arith.constant 0 : i32
        %dma_wait3A_212 = arith.constant 0 : i32
        %dma_wait3A_213 = tpu.memref_slice %arg13[%dma_wait3A_211, %dma_wait3A_212] : memref<1024x64xf32, #tpu.memory_space<vmem>> -> memref<128x64xf32, #tpu.memory_space<vmem>>
        %dma_wait3A_214 = arith.constant 0 : i32
        %dma_wait3A_215 = tpu.memref_slice %arg12[%run_scoped3A, %dma_wait3A_214] : memref<8x128xi32, #tpu.memory_space<vmem>> -> memref<1x128xi32, #tpu.memory_space<vmem>>
        %dma_wait3A_216 = tpu.memref_squeeze %dma_wait3A_215 : memref<1x128xi32, #tpu.memory_space<vmem>> -> memref<128xi32, #tpu.memory_space<vmem>>
        %dma_wait3A_217 = arith.constant 0 : i32
        %dma_wait3A_218 = arith.constant 0 : i32
        %dma_wait3A_219 = tpu.memref_slice %arg15[%dma_wait3A_217, %dma_wait3A_218] : memref<8192x64xf32, #tpu.memory_space<vmem_shared>> -> memref<8192x64xf32, #tpu.memory_space<vmem_shared>>
        tpu.wait_indirect_dma semaphore(%run_scoped3A_201 : memref<!tpu.dma_semaphore, #tpu.memory_space<semaphore_mem>>) src(%dma_wait3A_213 : memref<128x64xf32, #tpu.memory_space<vmem>>) dst(%dma_wait3A_219 : memref<8192x64xf32, #tpu.memory_space<vmem_shared>>)
        tpu.yield
      }) : () -> ()
      %run_scoped3A_186 = arith.constant 0 : i32
      "tpu.region"() ({
        %run_scoped3A_201 = tpu.sem_alloc : memref<!tpu.dma_semaphore, #tpu.memory_space<semaphore_mem>>
        %dma_start3A_202 = arith.constant 0 : i32
        %dma_start3A_203 = tpu.memref_slice %arg12[%run_scoped3A_186, %dma_start3A_202] : memref<8x128xi32, #tpu.memory_space<vmem>> -> memref<1x128xi32, #tpu.memory_space<vmem>>
        %dma_start3A_204 = tpu.memref_squeeze %dma_start3A_203 : memref<1x128xi32, #tpu.memory_space<vmem>> -> memref<128xi32, #tpu.memory_space<vmem>>
        %dma_start3A_205 = arith.constant 0 : i32
        %dma_start3A_206 = arith.constant 0 : i32
        %dma_start3A_207 = tpu.memref_slice %arg16[%dma_start3A_205, %dma_start3A_206] : memref<8192x16xf32, #tpu.memory_space<vmem_shared>> -> memref<8192x16xf32, #tpu.memory_space<vmem_shared>>
        tpu.enqueue_indirect_dma source(%arg14 : memref<128x16xf32, #tpu.memory_space<vmem>>) target(%dma_start3A_207 : memref<8192x16xf32, #tpu.memory_space<vmem_shared>>) offsets(%dma_start3A_204 : memref<128xi32, #tpu.memory_space<vmem>>) semaphore(%run_scoped3A_201 : memref<!tpu.dma_semaphore, #tpu.memory_space<semaphore_mem>>) {add = true}
        %dma_wait3A_208 = arith.constant 0 : i32
        %dma_wait3A_209 = tpu.memref_slice %arg12[%run_scoped3A_186, %dma_wait3A_208] : memref<8x128xi32, #tpu.memory_space<vmem>> -> memref<1x128xi32, #tpu.memory_space<vmem>>
        %dma_wait3A_210 = tpu.memref_squeeze %dma_wait3A_209 : memref<1x128xi32, #tpu.memory_space<vmem>> -> memref<128xi32, #tpu.memory_space<vmem>>
        %dma_wait3A_211 = arith.constant 0 : i32
        %dma_wait3A_212 = arith.constant 0 : i32
        %dma_wait3A_213 = tpu.memref_slice %arg16[%dma_wait3A_211, %dma_wait3A_212] : memref<8192x16xf32, #tpu.memory_space<vmem_shared>> -> memref<8192x16xf32, #tpu.memory_space<vmem_shared>>
        tpu.wait_indirect_dma semaphore(%run_scoped3A_201 : memref<!tpu.dma_semaphore, #tpu.memory_space<semaphore_mem>>) src(%arg14 : memref<128x16xf32, #tpu.memory_space<vmem>>) dst(%dma_wait3A_213 : memref<8192x16xf32, #tpu.memory_space<vmem_shared>>)
        tpu.yield
      }) : () -> ()
      %run_scoped3A_187 = arith.constant 1 : i32
      "tpu.region"() ({
        %run_scoped3A_201 = tpu.sem_alloc : memref<!tpu.dma_semaphore, #tpu.memory_space<semaphore_mem>>
        %dma_start3A_202 = arith.constant 128 : i32
        %dma_start3A_203 = arith.constant 0 : i32
        %dma_start3A_204 = tpu.memref_slice %arg13[%dma_start3A_202, %dma_start3A_203] : memref<1024x64xf32, #tpu.memory_space<vmem>> -> memref<128x64xf32, #tpu.memory_space<vmem>>
        %dma_start3A_205 = arith.constant 0 : i32
        %dma_start3A_206 = tpu.memref_slice %arg12[%run_scoped3A_187, %dma_start3A_205] : memref<8x128xi32, #tpu.memory_space<vmem>> -> memref<1x128xi32, #tpu.memory_space<vmem>>
        %dma_start3A_207 = tpu.memref_squeeze %dma_start3A_206 : memref<1x128xi32, #tpu.memory_space<vmem>> -> memref<128xi32, #tpu.memory_space<vmem>>
        %dma_start3A_208 = arith.constant 0 : i32
        %dma_start3A_209 = arith.constant 0 : i32
        %dma_start3A_210 = tpu.memref_slice %arg15[%dma_start3A_208, %dma_start3A_209] : memref<8192x64xf32, #tpu.memory_space<vmem_shared>> -> memref<8192x64xf32, #tpu.memory_space<vmem_shared>>
        tpu.enqueue_indirect_dma source(%dma_start3A_204 : memref<128x64xf32, #tpu.memory_space<vmem>>) target(%dma_start3A_210 : memref<8192x64xf32, #tpu.memory_space<vmem_shared>>) offsets(%dma_start3A_207 : memref<128xi32, #tpu.memory_space<vmem>>) semaphore(%run_scoped3A_201 : memref<!tpu.dma_semaphore, #tpu.memory_space<semaphore_mem>>) {add = true}
        %dma_wait3A_211 = arith.constant 128 : i32
        %dma_wait3A_212 = arith.constant 0 : i32
        %dma_wait3A_213 = tpu.memref_slice %arg13[%dma_wait3A_211, %dma_wait3A_212] : memref<1024x64xf32, #tpu.memory_space<vmem>> -> memref<128x64xf32, #tpu.memory_space<vmem>>
        %dma_wait3A_214 = arith.constant 0 : i32
        %dma_wait3A_215 = tpu.memref_slice %arg12[%run_scoped3A_187, %dma_wait3A_214] : memref<8x128xi32, #tpu.memory_space<vmem>> -> memref<1x128xi32, #tpu.memory_space<vmem>>
        %dma_wait3A_216 = tpu.memref_squeeze %dma_wait3A_215 : memref<1x128xi32, #tpu.memory_space<vmem>> -> memref<128xi32, #tpu.memory_space<vmem>>
        %dma_wait3A_217 = arith.constant 0 : i32
        %dma_wait3A_218 = arith.constant 0 : i32
        %dma_wait3A_219 = tpu.memref_slice %arg15[%dma_wait3A_217, %dma_wait3A_218] : memref<8192x64xf32, #tpu.memory_space<vmem_shared>> -> memref<8192x64xf32, #tpu.memory_space<vmem_shared>>
        tpu.wait_indirect_dma semaphore(%run_scoped3A_201 : memref<!tpu.dma_semaphore, #tpu.memory_space<semaphore_mem>>) src(%dma_wait3A_213 : memref<128x64xf32, #tpu.memory_space<vmem>>) dst(%dma_wait3A_219 : memref<8192x64xf32, #tpu.memory_space<vmem_shared>>)
        tpu.yield
      }) : () -> ()
      %run_scoped3A_188 = arith.constant 1 : i32
      "tpu.region"() ({
        %run_scoped3A_201 = tpu.sem_alloc : memref<!tpu.dma_semaphore, #tpu.memory_space<semaphore_mem>>
        %dma_start3A_202 = arith.constant 0 : i32
        %dma_start3A_203 = tpu.memref_slice %arg12[%run_scoped3A_188, %dma_start3A_202] : memref<8x128xi32, #tpu.memory_space<vmem>> -> memref<1x128xi32, #tpu.memory_space<vmem>>
        %dma_start3A_204 = tpu.memref_squeeze %dma_start3A_203 : memref<1x128xi32, #tpu.memory_space<vmem>> -> memref<128xi32, #tpu.memory_space<vmem>>
        %dma_start3A_205 = arith.constant 0 : i32
        %dma_start3A_206 = arith.constant 0 : i32
        %dma_start3A_207 = tpu.memref_slice %arg16[%dma_start3A_205, %dma_start3A_206] : memref<8192x16xf32, #tpu.memory_space<vmem_shared>> -> memref<8192x16xf32, #tpu.memory_space<vmem_shared>>
        tpu.enqueue_indirect_dma source(%arg14 : memref<128x16xf32, #tpu.memory_space<vmem>>) target(%dma_start3A_207 : memref<8192x16xf32, #tpu.memory_space<vmem_shared>>) offsets(%dma_start3A_204 : memref<128xi32, #tpu.memory_space<vmem>>) semaphore(%run_scoped3A_201 : memref<!tpu.dma_semaphore, #tpu.memory_space<semaphore_mem>>) {add = true}
        %dma_wait3A_208 = arith.constant 0 : i32
        %dma_wait3A_209 = tpu.memref_slice %arg12[%run_scoped3A_188, %dma_wait3A_208] : memref<8x128xi32, #tpu.memory_space<vmem>> -> memref<1x128xi32, #tpu.memory_space<vmem>>
        %dma_wait3A_210 = tpu.memref_squeeze %dma_wait3A_209 : memref<1x128xi32, #tpu.memory_space<vmem>> -> memref<128xi32, #tpu.memory_space<vmem>>
        %dma_wait3A_211 = arith.constant 0 : i32
        %dma_wait3A_212 = arith.constant 0 : i32
        %dma_wait3A_213 = tpu.memref_slice %arg16[%dma_wait3A_211, %dma_wait3A_212] : memref<8192x16xf32, #tpu.memory_space<vmem_shared>> -> memref<8192x16xf32, #tpu.memory_space<vmem_shared>>
        tpu.wait_indirect_dma semaphore(%run_scoped3A_201 : memref<!tpu.dma_semaphore, #tpu.memory_space<semaphore_mem>>) src(%arg14 : memref<128x16xf32, #tpu.memory_space<vmem>>) dst(%dma_wait3A_213 : memref<8192x16xf32, #tpu.memory_space<vmem_shared>>)
        tpu.yield
      }) : () -> ()
      %run_scoped3A_189 = arith.constant 2 : i32
      "tpu.region"() ({
        %run_scoped3A_201 = tpu.sem_alloc : memref<!tpu.dma_semaphore, #tpu.memory_space<semaphore_mem>>
        %dma_start3A_202 = arith.constant 256 : i32
        %dma_start3A_203 = arith.constant 0 : i32
        %dma_start3A_204 = tpu.memref_slice %arg13[%dma_start3A_202, %dma_start3A_203] : memref<1024x64xf32, #tpu.memory_space<vmem>> -> memref<128x64xf32, #tpu.memory_space<vmem>>
        %dma_start3A_205 = arith.constant 0 : i32
        %dma_start3A_206 = tpu.memref_slice %arg12[%run_scoped3A_189, %dma_start3A_205] : memref<8x128xi32, #tpu.memory_space<vmem>> -> memref<1x128xi32, #tpu.memory_space<vmem>>
        %dma_start3A_207 = tpu.memref_squeeze %dma_start3A_206 : memref<1x128xi32, #tpu.memory_space<vmem>> -> memref<128xi32, #tpu.memory_space<vmem>>
        %dma_start3A_208 = arith.constant 0 : i32
        %dma_start3A_209 = arith.constant 0 : i32
        %dma_start3A_210 = tpu.memref_slice %arg15[%dma_start3A_208, %dma_start3A_209] : memref<8192x64xf32, #tpu.memory_space<vmem_shared>> -> memref<8192x64xf32, #tpu.memory_space<vmem_shared>>
        tpu.enqueue_indirect_dma source(%dma_start3A_204 : memref<128x64xf32, #tpu.memory_space<vmem>>) target(%dma_start3A_210 : memref<8192x64xf32, #tpu.memory_space<vmem_shared>>) offsets(%dma_start3A_207 : memref<128xi32, #tpu.memory_space<vmem>>) semaphore(%run_scoped3A_201 : memref<!tpu.dma_semaphore, #tpu.memory_space<semaphore_mem>>) {add = true}
        %dma_wait3A_211 = arith.constant 256 : i32
        %dma_wait3A_212 = arith.constant 0 : i32
        %dma_wait3A_213 = tpu.memref_slice %arg13[%dma_wait3A_211, %dma_wait3A_212] : memref<1024x64xf32, #tpu.memory_space<vmem>> -> memref<128x64xf32, #tpu.memory_space<vmem>>
        %dma_wait3A_214 = arith.constant 0 : i32
        %dma_wait3A_215 = tpu.memref_slice %arg12[%run_scoped3A_189, %dma_wait3A_214] : memref<8x128xi32, #tpu.memory_space<vmem>> -> memref<1x128xi32, #tpu.memory_space<vmem>>
        %dma_wait3A_216 = tpu.memref_squeeze %dma_wait3A_215 : memref<1x128xi32, #tpu.memory_space<vmem>> -> memref<128xi32, #tpu.memory_space<vmem>>
        %dma_wait3A_217 = arith.constant 0 : i32
        %dma_wait3A_218 = arith.constant 0 : i32
        %dma_wait3A_219 = tpu.memref_slice %arg15[%dma_wait3A_217, %dma_wait3A_218] : memref<8192x64xf32, #tpu.memory_space<vmem_shared>> -> memref<8192x64xf32, #tpu.memory_space<vmem_shared>>
        tpu.wait_indirect_dma semaphore(%run_scoped3A_201 : memref<!tpu.dma_semaphore, #tpu.memory_space<semaphore_mem>>) src(%dma_wait3A_213 : memref<128x64xf32, #tpu.memory_space<vmem>>) dst(%dma_wait3A_219 : memref<8192x64xf32, #tpu.memory_space<vmem_shared>>)
        tpu.yield
      }) : () -> ()
      %run_scoped3A_190 = arith.constant 2 : i32
      "tpu.region"() ({
        %run_scoped3A_201 = tpu.sem_alloc : memref<!tpu.dma_semaphore, #tpu.memory_space<semaphore_mem>>
        %dma_start3A_202 = arith.constant 0 : i32
        %dma_start3A_203 = tpu.memref_slice %arg12[%run_scoped3A_190, %dma_start3A_202] : memref<8x128xi32, #tpu.memory_space<vmem>> -> memref<1x128xi32, #tpu.memory_space<vmem>>
        %dma_start3A_204 = tpu.memref_squeeze %dma_start3A_203 : memref<1x128xi32, #tpu.memory_space<vmem>> -> memref<128xi32, #tpu.memory_space<vmem>>
        %dma_start3A_205 = arith.constant 0 : i32
        %dma_start3A_206 = arith.constant 0 : i32
        %dma_start3A_207 = tpu.memref_slice %arg16[%dma_start3A_205, %dma_start3A_206] : memref<8192x16xf32, #tpu.memory_space<vmem_shared>> -> memref<8192x16xf32, #tpu.memory_space<vmem_shared>>
        tpu.enqueue_indirect_dma source(%arg14 : memref<128x16xf32, #tpu.memory_space<vmem>>) target(%dma_start3A_207 : memref<8192x16xf32, #tpu.memory_space<vmem_shared>>) offsets(%dma_start3A_204 : memref<128xi32, #tpu.memory_space<vmem>>) semaphore(%run_scoped3A_201 : memref<!tpu.dma_semaphore, #tpu.memory_space<semaphore_mem>>) {add = true}
        %dma_wait3A_208 = arith.constant 0 : i32
        %dma_wait3A_209 = tpu.memref_slice %arg12[%run_scoped3A_190, %dma_wait3A_208] : memref<8x128xi32, #tpu.memory_space<vmem>> -> memref<1x128xi32, #tpu.memory_space<vmem>>
        %dma_wait3A_210 = tpu.memref_squeeze %dma_wait3A_209 : memref<1x128xi32, #tpu.memory_space<vmem>> -> memref<128xi32, #tpu.memory_space<vmem>>
        %dma_wait3A_211 = arith.constant 0 : i32
        %dma_wait3A_212 = arith.constant 0 : i32
        %dma_wait3A_213 = tpu.memref_slice %arg16[%dma_wait3A_211, %dma_wait3A_212] : memref<8192x16xf32, #tpu.memory_space<vmem_shared>> -> memref<8192x16xf32, #tpu.memory_space<vmem_shared>>
        tpu.wait_indirect_dma semaphore(%run_scoped3A_201 : memref<!tpu.dma_semaphore, #tpu.memory_space<semaphore_mem>>) src(%arg14 : memref<128x16xf32, #tpu.memory_space<vmem>>) dst(%dma_wait3A_213 : memref<8192x16xf32, #tpu.memory_space<vmem_shared>>)
        tpu.yield
      }) : () -> ()
      %run_scoped3A_191 = arith.constant 3 : i32
      "tpu.region"() ({
        %run_scoped3A_201 = tpu.sem_alloc : memref<!tpu.dma_semaphore, #tpu.memory_space<semaphore_mem>>
        %dma_start3A_202 = arith.constant 384 : i32
        %dma_start3A_203 = arith.constant 0 : i32
        %dma_start3A_204 = tpu.memref_slice %arg13[%dma_start3A_202, %dma_start3A_203] : memref<1024x64xf32, #tpu.memory_space<vmem>> -> memref<128x64xf32, #tpu.memory_space<vmem>>
        %dma_start3A_205 = arith.constant 0 : i32
        %dma_start3A_206 = tpu.memref_slice %arg12[%run_scoped3A_191, %dma_start3A_205] : memref<8x128xi32, #tpu.memory_space<vmem>> -> memref<1x128xi32, #tpu.memory_space<vmem>>
        %dma_start3A_207 = tpu.memref_squeeze %dma_start3A_206 : memref<1x128xi32, #tpu.memory_space<vmem>> -> memref<128xi32, #tpu.memory_space<vmem>>
        %dma_start3A_208 = arith.constant 0 : i32
        %dma_start3A_209 = arith.constant 0 : i32
        %dma_start3A_210 = tpu.memref_slice %arg15[%dma_start3A_208, %dma_start3A_209] : memref<8192x64xf32, #tpu.memory_space<vmem_shared>> -> memref<8192x64xf32, #tpu.memory_space<vmem_shared>>
        tpu.enqueue_indirect_dma source(%dma_start3A_204 : memref<128x64xf32, #tpu.memory_space<vmem>>) target(%dma_start3A_210 : memref<8192x64xf32, #tpu.memory_space<vmem_shared>>) offsets(%dma_start3A_207 : memref<128xi32, #tpu.memory_space<vmem>>) semaphore(%run_scoped3A_201 : memref<!tpu.dma_semaphore, #tpu.memory_space<semaphore_mem>>) {add = true}
        %dma_wait3A_211 = arith.constant 384 : i32
        %dma_wait3A_212 = arith.constant 0 : i32
        %dma_wait3A_213 = tpu.memref_slice %arg13[%dma_wait3A_211, %dma_wait3A_212] : memref<1024x64xf32, #tpu.memory_space<vmem>> -> memref<128x64xf32, #tpu.memory_space<vmem>>
        %dma_wait3A_214 = arith.constant 0 : i32
        %dma_wait3A_215 = tpu.memref_slice %arg12[%run_scoped3A_191, %dma_wait3A_214] : memref<8x128xi32, #tpu.memory_space<vmem>> -> memref<1x128xi32, #tpu.memory_space<vmem>>
        %dma_wait3A_216 = tpu.memref_squeeze %dma_wait3A_215 : memref<1x128xi32, #tpu.memory_space<vmem>> -> memref<128xi32, #tpu.memory_space<vmem>>
        %dma_wait3A_217 = arith.constant 0 : i32
        %dma_wait3A_218 = arith.constant 0 : i32
        %dma_wait3A_219 = tpu.memref_slice %arg15[%dma_wait3A_217, %dma_wait3A_218] : memref<8192x64xf32, #tpu.memory_space<vmem_shared>> -> memref<8192x64xf32, #tpu.memory_space<vmem_shared>>
        tpu.wait_indirect_dma semaphore(%run_scoped3A_201 : memref<!tpu.dma_semaphore, #tpu.memory_space<semaphore_mem>>) src(%dma_wait3A_213 : memref<128x64xf32, #tpu.memory_space<vmem>>) dst(%dma_wait3A_219 : memref<8192x64xf32, #tpu.memory_space<vmem_shared>>)
        tpu.yield
      }) : () -> ()
      %run_scoped3A_192 = arith.constant 3 : i32
      "tpu.region"() ({
        %run_scoped3A_201 = tpu.sem_alloc : memref<!tpu.dma_semaphore, #tpu.memory_space<semaphore_mem>>
        %dma_start3A_202 = arith.constant 0 : i32
        %dma_start3A_203 = tpu.memref_slice %arg12[%run_scoped3A_192, %dma_start3A_202] : memref<8x128xi32, #tpu.memory_space<vmem>> -> memref<1x128xi32, #tpu.memory_space<vmem>>
        %dma_start3A_204 = tpu.memref_squeeze %dma_start3A_203 : memref<1x128xi32, #tpu.memory_space<vmem>> -> memref<128xi32, #tpu.memory_space<vmem>>
        %dma_start3A_205 = arith.constant 0 : i32
        %dma_start3A_206 = arith.constant 0 : i32
        %dma_start3A_207 = tpu.memref_slice %arg16[%dma_start3A_205, %dma_start3A_206] : memref<8192x16xf32, #tpu.memory_space<vmem_shared>> -> memref<8192x16xf32, #tpu.memory_space<vmem_shared>>
        tpu.enqueue_indirect_dma source(%arg14 : memref<128x16xf32, #tpu.memory_space<vmem>>) target(%dma_start3A_207 : memref<8192x16xf32, #tpu.memory_space<vmem_shared>>) offsets(%dma_start3A_204 : memref<128xi32, #tpu.memory_space<vmem>>) semaphore(%run_scoped3A_201 : memref<!tpu.dma_semaphore, #tpu.memory_space<semaphore_mem>>) {add = true}
        %dma_wait3A_208 = arith.constant 0 : i32
        %dma_wait3A_209 = tpu.memref_slice %arg12[%run_scoped3A_192, %dma_wait3A_208] : memref<8x128xi32, #tpu.memory_space<vmem>> -> memref<1x128xi32, #tpu.memory_space<vmem>>
        %dma_wait3A_210 = tpu.memref_squeeze %dma_wait3A_209 : memref<1x128xi32, #tpu.memory_space<vmem>> -> memref<128xi32, #tpu.memory_space<vmem>>
        %dma_wait3A_211 = arith.constant 0 : i32
        %dma_wait3A_212 = arith.constant 0 : i32
        %dma_wait3A_213 = tpu.memref_slice %arg16[%dma_wait3A_211, %dma_wait3A_212] : memref<8192x16xf32, #tpu.memory_space<vmem_shared>> -> memref<8192x16xf32, #tpu.memory_space<vmem_shared>>
        tpu.wait_indirect_dma semaphore(%run_scoped3A_201 : memref<!tpu.dma_semaphore, #tpu.memory_space<semaphore_mem>>) src(%arg14 : memref<128x16xf32, #tpu.memory_space<vmem>>) dst(%dma_wait3A_213 : memref<8192x16xf32, #tpu.memory_space<vmem_shared>>)
        tpu.yield
      }) : () -> ()
      %run_scoped3A_193 = arith.constant 4 : i32
      "tpu.region"() ({
        %run_scoped3A_201 = tpu.sem_alloc : memref<!tpu.dma_semaphore, #tpu.memory_space<semaphore_mem>>
        %dma_start3A_202 = arith.constant 512 : i32
        %dma_start3A_203 = arith.constant 0 : i32
        %dma_start3A_204 = tpu.memref_slice %arg13[%dma_start3A_202, %dma_start3A_203] : memref<1024x64xf32, #tpu.memory_space<vmem>> -> memref<128x64xf32, #tpu.memory_space<vmem>>
        %dma_start3A_205 = arith.constant 0 : i32
        %dma_start3A_206 = tpu.memref_slice %arg12[%run_scoped3A_193, %dma_start3A_205] : memref<8x128xi32, #tpu.memory_space<vmem>> -> memref<1x128xi32, #tpu.memory_space<vmem>>
        %dma_start3A_207 = tpu.memref_squeeze %dma_start3A_206 : memref<1x128xi32, #tpu.memory_space<vmem>> -> memref<128xi32, #tpu.memory_space<vmem>>
        %dma_start3A_208 = arith.constant 0 : i32
        %dma_start3A_209 = arith.constant 0 : i32
        %dma_start3A_210 = tpu.memref_slice %arg15[%dma_start3A_208, %dma_start3A_209] : memref<8192x64xf32, #tpu.memory_space<vmem_shared>> -> memref<8192x64xf32, #tpu.memory_space<vmem_shared>>
        tpu.enqueue_indirect_dma source(%dma_start3A_204 : memref<128x64xf32, #tpu.memory_space<vmem>>) target(%dma_start3A_210 : memref<8192x64xf32, #tpu.memory_space<vmem_shared>>) offsets(%dma_start3A_207 : memref<128xi32, #tpu.memory_space<vmem>>) semaphore(%run_scoped3A_201 : memref<!tpu.dma_semaphore, #tpu.memory_space<semaphore_mem>>) {add = true}
        %dma_wait3A_211 = arith.constant 512 : i32
        %dma_wait3A_212 = arith.constant 0 : i32
        %dma_wait3A_213 = tpu.memref_slice %arg13[%dma_wait3A_211, %dma_wait3A_212] : memref<1024x64xf32, #tpu.memory_space<vmem>> -> memref<128x64xf32, #tpu.memory_space<vmem>>
        %dma_wait3A_214 = arith.constant 0 : i32
        %dma_wait3A_215 = tpu.memref_slice %arg12[%run_scoped3A_193, %dma_wait3A_214] : memref<8x128xi32, #tpu.memory_space<vmem>> -> memref<1x128xi32, #tpu.memory_space<vmem>>
        %dma_wait3A_216 = tpu.memref_squeeze %dma_wait3A_215 : memref<1x128xi32, #tpu.memory_space<vmem>> -> memref<128xi32, #tpu.memory_space<vmem>>
        %dma_wait3A_217 = arith.constant 0 : i32
        %dma_wait3A_218 = arith.constant 0 : i32
        %dma_wait3A_219 = tpu.memref_slice %arg15[%dma_wait3A_217, %dma_wait3A_218] : memref<8192x64xf32, #tpu.memory_space<vmem_shared>> -> memref<8192x64xf32, #tpu.memory_space<vmem_shared>>
        tpu.wait_indirect_dma semaphore(%run_scoped3A_201 : memref<!tpu.dma_semaphore, #tpu.memory_space<semaphore_mem>>) src(%dma_wait3A_213 : memref<128x64xf32, #tpu.memory_space<vmem>>) dst(%dma_wait3A_219 : memref<8192x64xf32, #tpu.memory_space<vmem_shared>>)
        tpu.yield
      }) : () -> ()
      %run_scoped3A_194 = arith.constant 4 : i32
      "tpu.region"() ({
        %run_scoped3A_201 = tpu.sem_alloc : memref<!tpu.dma_semaphore, #tpu.memory_space<semaphore_mem>>
        %dma_start3A_202 = arith.constant 0 : i32
        %dma_start3A_203 = tpu.memref_slice %arg12[%run_scoped3A_194, %dma_start3A_202] : memref<8x128xi32, #tpu.memory_space<vmem>> -> memref<1x128xi32, #tpu.memory_space<vmem>>
        %dma_start3A_204 = tpu.memref_squeeze %dma_start3A_203 : memref<1x128xi32, #tpu.memory_space<vmem>> -> memref<128xi32, #tpu.memory_space<vmem>>
        %dma_start3A_205 = arith.constant 0 : i32
        %dma_start3A_206 = arith.constant 0 : i32
        %dma_start3A_207 = tpu.memref_slice %arg16[%dma_start3A_205, %dma_start3A_206] : memref<8192x16xf32, #tpu.memory_space<vmem_shared>> -> memref<8192x16xf32, #tpu.memory_space<vmem_shared>>
        tpu.enqueue_indirect_dma source(%arg14 : memref<128x16xf32, #tpu.memory_space<vmem>>) target(%dma_start3A_207 : memref<8192x16xf32, #tpu.memory_space<vmem_shared>>) offsets(%dma_start3A_204 : memref<128xi32, #tpu.memory_space<vmem>>) semaphore(%run_scoped3A_201 : memref<!tpu.dma_semaphore, #tpu.memory_space<semaphore_mem>>) {add = true}
        %dma_wait3A_208 = arith.constant 0 : i32
        %dma_wait3A_209 = tpu.memref_slice %arg12[%run_scoped3A_194, %dma_wait3A_208] : memref<8x128xi32, #tpu.memory_space<vmem>> -> memref<1x128xi32, #tpu.memory_space<vmem>>
        %dma_wait3A_210 = tpu.memref_squeeze %dma_wait3A_209 : memref<1x128xi32, #tpu.memory_space<vmem>> -> memref<128xi32, #tpu.memory_space<vmem>>
        %dma_wait3A_211 = arith.constant 0 : i32
        %dma_wait3A_212 = arith.constant 0 : i32
        %dma_wait3A_213 = tpu.memref_slice %arg16[%dma_wait3A_211, %dma_wait3A_212] : memref<8192x16xf32, #tpu.memory_space<vmem_shared>> -> memref<8192x16xf32, #tpu.memory_space<vmem_shared>>
        tpu.wait_indirect_dma semaphore(%run_scoped3A_201 : memref<!tpu.dma_semaphore, #tpu.memory_space<semaphore_mem>>) src(%arg14 : memref<128x16xf32, #tpu.memory_space<vmem>>) dst(%dma_wait3A_213 : memref<8192x16xf32, #tpu.memory_space<vmem_shared>>)
        tpu.yield
      }) : () -> ()
      %run_scoped3A_195 = arith.constant 5 : i32
      "tpu.region"() ({
        %run_scoped3A_201 = tpu.sem_alloc : memref<!tpu.dma_semaphore, #tpu.memory_space<semaphore_mem>>
        %dma_start3A_202 = arith.constant 640 : i32
        %dma_start3A_203 = arith.constant 0 : i32
        %dma_start3A_204 = tpu.memref_slice %arg13[%dma_start3A_202, %dma_start3A_203] : memref<1024x64xf32, #tpu.memory_space<vmem>> -> memref<128x64xf32, #tpu.memory_space<vmem>>
        %dma_start3A_205 = arith.constant 0 : i32
        %dma_start3A_206 = tpu.memref_slice %arg12[%run_scoped3A_195, %dma_start3A_205] : memref<8x128xi32, #tpu.memory_space<vmem>> -> memref<1x128xi32, #tpu.memory_space<vmem>>
        %dma_start3A_207 = tpu.memref_squeeze %dma_start3A_206 : memref<1x128xi32, #tpu.memory_space<vmem>> -> memref<128xi32, #tpu.memory_space<vmem>>
        %dma_start3A_208 = arith.constant 0 : i32
        %dma_start3A_209 = arith.constant 0 : i32
        %dma_start3A_210 = tpu.memref_slice %arg15[%dma_start3A_208, %dma_start3A_209] : memref<8192x64xf32, #tpu.memory_space<vmem_shared>> -> memref<8192x64xf32, #tpu.memory_space<vmem_shared>>
        tpu.enqueue_indirect_dma source(%dma_start3A_204 : memref<128x64xf32, #tpu.memory_space<vmem>>) target(%dma_start3A_210 : memref<8192x64xf32, #tpu.memory_space<vmem_shared>>) offsets(%dma_start3A_207 : memref<128xi32, #tpu.memory_space<vmem>>) semaphore(%run_scoped3A_201 : memref<!tpu.dma_semaphore, #tpu.memory_space<semaphore_mem>>) {add = true}
        %dma_wait3A_211 = arith.constant 640 : i32
        %dma_wait3A_212 = arith.constant 0 : i32
        %dma_wait3A_213 = tpu.memref_slice %arg13[%dma_wait3A_211, %dma_wait3A_212] : memref<1024x64xf32, #tpu.memory_space<vmem>> -> memref<128x64xf32, #tpu.memory_space<vmem>>
        %dma_wait3A_214 = arith.constant 0 : i32
        %dma_wait3A_215 = tpu.memref_slice %arg12[%run_scoped3A_195, %dma_wait3A_214] : memref<8x128xi32, #tpu.memory_space<vmem>> -> memref<1x128xi32, #tpu.memory_space<vmem>>
        %dma_wait3A_216 = tpu.memref_squeeze %dma_wait3A_215 : memref<1x128xi32, #tpu.memory_space<vmem>> -> memref<128xi32, #tpu.memory_space<vmem>>
        %dma_wait3A_217 = arith.constant 0 : i32
        %dma_wait3A_218 = arith.constant 0 : i32
        %dma_wait3A_219 = tpu.memref_slice %arg15[%dma_wait3A_217, %dma_wait3A_218] : memref<8192x64xf32, #tpu.memory_space<vmem_shared>> -> memref<8192x64xf32, #tpu.memory_space<vmem_shared>>
        tpu.wait_indirect_dma semaphore(%run_scoped3A_201 : memref<!tpu.dma_semaphore, #tpu.memory_space<semaphore_mem>>) src(%dma_wait3A_213 : memref<128x64xf32, #tpu.memory_space<vmem>>) dst(%dma_wait3A_219 : memref<8192x64xf32, #tpu.memory_space<vmem_shared>>)
        tpu.yield
      }) : () -> ()
      %run_scoped3A_196 = arith.constant 5 : i32
      "tpu.region"() ({
        %run_scoped3A_201 = tpu.sem_alloc : memref<!tpu.dma_semaphore, #tpu.memory_space<semaphore_mem>>
        %dma_start3A_202 = arith.constant 0 : i32
        %dma_start3A_203 = tpu.memref_slice %arg12[%run_scoped3A_196, %dma_start3A_202] : memref<8x128xi32, #tpu.memory_space<vmem>> -> memref<1x128xi32, #tpu.memory_space<vmem>>
        %dma_start3A_204 = tpu.memref_squeeze %dma_start3A_203 : memref<1x128xi32, #tpu.memory_space<vmem>> -> memref<128xi32, #tpu.memory_space<vmem>>
        %dma_start3A_205 = arith.constant 0 : i32
        %dma_start3A_206 = arith.constant 0 : i32
        %dma_start3A_207 = tpu.memref_slice %arg16[%dma_start3A_205, %dma_start3A_206] : memref<8192x16xf32, #tpu.memory_space<vmem_shared>> -> memref<8192x16xf32, #tpu.memory_space<vmem_shared>>
        tpu.enqueue_indirect_dma source(%arg14 : memref<128x16xf32, #tpu.memory_space<vmem>>) target(%dma_start3A_207 : memref<8192x16xf32, #tpu.memory_space<vmem_shared>>) offsets(%dma_start3A_204 : memref<128xi32, #tpu.memory_space<vmem>>) semaphore(%run_scoped3A_201 : memref<!tpu.dma_semaphore, #tpu.memory_space<semaphore_mem>>) {add = true}
        %dma_wait3A_208 = arith.constant 0 : i32
        %dma_wait3A_209 = tpu.memref_slice %arg12[%run_scoped3A_196, %dma_wait3A_208] : memref<8x128xi32, #tpu.memory_space<vmem>> -> memref<1x128xi32, #tpu.memory_space<vmem>>
        %dma_wait3A_210 = tpu.memref_squeeze %dma_wait3A_209 : memref<1x128xi32, #tpu.memory_space<vmem>> -> memref<128xi32, #tpu.memory_space<vmem>>
        %dma_wait3A_211 = arith.constant 0 : i32
        %dma_wait3A_212 = arith.constant 0 : i32
        %dma_wait3A_213 = tpu.memref_slice %arg16[%dma_wait3A_211, %dma_wait3A_212] : memref<8192x16xf32, #tpu.memory_space<vmem_shared>> -> memref<8192x16xf32, #tpu.memory_space<vmem_shared>>
        tpu.wait_indirect_dma semaphore(%run_scoped3A_201 : memref<!tpu.dma_semaphore, #tpu.memory_space<semaphore_mem>>) src(%arg14 : memref<128x16xf32, #tpu.memory_space<vmem>>) dst(%dma_wait3A_213 : memref<8192x16xf32, #tpu.memory_space<vmem_shared>>)
        tpu.yield
      }) : () -> ()
      %run_scoped3A_197 = arith.constant 6 : i32
      "tpu.region"() ({
        %run_scoped3A_201 = tpu.sem_alloc : memref<!tpu.dma_semaphore, #tpu.memory_space<semaphore_mem>>
        %dma_start3A_202 = arith.constant 768 : i32
        %dma_start3A_203 = arith.constant 0 : i32
        %dma_start3A_204 = tpu.memref_slice %arg13[%dma_start3A_202, %dma_start3A_203] : memref<1024x64xf32, #tpu.memory_space<vmem>> -> memref<128x64xf32, #tpu.memory_space<vmem>>
        %dma_start3A_205 = arith.constant 0 : i32
        %dma_start3A_206 = tpu.memref_slice %arg12[%run_scoped3A_197, %dma_start3A_205] : memref<8x128xi32, #tpu.memory_space<vmem>> -> memref<1x128xi32, #tpu.memory_space<vmem>>
        %dma_start3A_207 = tpu.memref_squeeze %dma_start3A_206 : memref<1x128xi32, #tpu.memory_space<vmem>> -> memref<128xi32, #tpu.memory_space<vmem>>
        %dma_start3A_208 = arith.constant 0 : i32
        %dma_start3A_209 = arith.constant 0 : i32
        %dma_start3A_210 = tpu.memref_slice %arg15[%dma_start3A_208, %dma_start3A_209] : memref<8192x64xf32, #tpu.memory_space<vmem_shared>> -> memref<8192x64xf32, #tpu.memory_space<vmem_shared>>
        tpu.enqueue_indirect_dma source(%dma_start3A_204 : memref<128x64xf32, #tpu.memory_space<vmem>>) target(%dma_start3A_210 : memref<8192x64xf32, #tpu.memory_space<vmem_shared>>) offsets(%dma_start3A_207 : memref<128xi32, #tpu.memory_space<vmem>>) semaphore(%run_scoped3A_201 : memref<!tpu.dma_semaphore, #tpu.memory_space<semaphore_mem>>) {add = true}
        %dma_wait3A_211 = arith.constant 768 : i32
        %dma_wait3A_212 = arith.constant 0 : i32
        %dma_wait3A_213 = tpu.memref_slice %arg13[%dma_wait3A_211, %dma_wait3A_212] : memref<1024x64xf32, #tpu.memory_space<vmem>> -> memref<128x64xf32, #tpu.memory_space<vmem>>
        %dma_wait3A_214 = arith.constant 0 : i32
        %dma_wait3A_215 = tpu.memref_slice %arg12[%run_scoped3A_197, %dma_wait3A_214] : memref<8x128xi32, #tpu.memory_space<vmem>> -> memref<1x128xi32, #tpu.memory_space<vmem>>
        %dma_wait3A_216 = tpu.memref_squeeze %dma_wait3A_215 : memref<1x128xi32, #tpu.memory_space<vmem>> -> memref<128xi32, #tpu.memory_space<vmem>>
        %dma_wait3A_217 = arith.constant 0 : i32
        %dma_wait3A_218 = arith.constant 0 : i32
        %dma_wait3A_219 = tpu.memref_slice %arg15[%dma_wait3A_217, %dma_wait3A_218] : memref<8192x64xf32, #tpu.memory_space<vmem_shared>> -> memref<8192x64xf32, #tpu.memory_space<vmem_shared>>
        tpu.wait_indirect_dma semaphore(%run_scoped3A_201 : memref<!tpu.dma_semaphore, #tpu.memory_space<semaphore_mem>>) src(%dma_wait3A_213 : memref<128x64xf32, #tpu.memory_space<vmem>>) dst(%dma_wait3A_219 : memref<8192x64xf32, #tpu.memory_space<vmem_shared>>)
        tpu.yield
      }) : () -> ()
      %run_scoped3A_198 = arith.constant 6 : i32
      "tpu.region"() ({
        %run_scoped3A_201 = tpu.sem_alloc : memref<!tpu.dma_semaphore, #tpu.memory_space<semaphore_mem>>
        %dma_start3A_202 = arith.constant 0 : i32
        %dma_start3A_203 = tpu.memref_slice %arg12[%run_scoped3A_198, %dma_start3A_202] : memref<8x128xi32, #tpu.memory_space<vmem>> -> memref<1x128xi32, #tpu.memory_space<vmem>>
        %dma_start3A_204 = tpu.memref_squeeze %dma_start3A_203 : memref<1x128xi32, #tpu.memory_space<vmem>> -> memref<128xi32, #tpu.memory_space<vmem>>
        %dma_start3A_205 = arith.constant 0 : i32
        %dma_start3A_206 = arith.constant 0 : i32
        %dma_start3A_207 = tpu.memref_slice %arg16[%dma_start3A_205, %dma_start3A_206] : memref<8192x16xf32, #tpu.memory_space<vmem_shared>> -> memref<8192x16xf32, #tpu.memory_space<vmem_shared>>
        tpu.enqueue_indirect_dma source(%arg14 : memref<128x16xf32, #tpu.memory_space<vmem>>) target(%dma_start3A_207 : memref<8192x16xf32, #tpu.memory_space<vmem_shared>>) offsets(%dma_start3A_204 : memref<128xi32, #tpu.memory_space<vmem>>) semaphore(%run_scoped3A_201 : memref<!tpu.dma_semaphore, #tpu.memory_space<semaphore_mem>>) {add = true}
        %dma_wait3A_208 = arith.constant 0 : i32
        %dma_wait3A_209 = tpu.memref_slice %arg12[%run_scoped3A_198, %dma_wait3A_208] : memref<8x128xi32, #tpu.memory_space<vmem>> -> memref<1x128xi32, #tpu.memory_space<vmem>>
        %dma_wait3A_210 = tpu.memref_squeeze %dma_wait3A_209 : memref<1x128xi32, #tpu.memory_space<vmem>> -> memref<128xi32, #tpu.memory_space<vmem>>
        %dma_wait3A_211 = arith.constant 0 : i32
        %dma_wait3A_212 = arith.constant 0 : i32
        %dma_wait3A_213 = tpu.memref_slice %arg16[%dma_wait3A_211, %dma_wait3A_212] : memref<8192x16xf32, #tpu.memory_space<vmem_shared>> -> memref<8192x16xf32, #tpu.memory_space<vmem_shared>>
        tpu.wait_indirect_dma semaphore(%run_scoped3A_201 : memref<!tpu.dma_semaphore, #tpu.memory_space<semaphore_mem>>) src(%arg14 : memref<128x16xf32, #tpu.memory_space<vmem>>) dst(%dma_wait3A_213 : memref<8192x16xf32, #tpu.memory_space<vmem_shared>>)
        tpu.yield
      }) : () -> ()
      %run_scoped3A_199 = arith.constant 7 : i32
      "tpu.region"() ({
        %run_scoped3A_201 = tpu.sem_alloc : memref<!tpu.dma_semaphore, #tpu.memory_space<semaphore_mem>>
        %dma_start3A_202 = arith.constant 896 : i32
        %dma_start3A_203 = arith.constant 0 : i32
        %dma_start3A_204 = tpu.memref_slice %arg13[%dma_start3A_202, %dma_start3A_203] : memref<1024x64xf32, #tpu.memory_space<vmem>> -> memref<128x64xf32, #tpu.memory_space<vmem>>
        %dma_start3A_205 = arith.constant 0 : i32
        %dma_start3A_206 = tpu.memref_slice %arg12[%run_scoped3A_199, %dma_start3A_205] : memref<8x128xi32, #tpu.memory_space<vmem>> -> memref<1x128xi32, #tpu.memory_space<vmem>>
        %dma_start3A_207 = tpu.memref_squeeze %dma_start3A_206 : memref<1x128xi32, #tpu.memory_space<vmem>> -> memref<128xi32, #tpu.memory_space<vmem>>
        %dma_start3A_208 = arith.constant 0 : i32
        %dma_start3A_209 = arith.constant 0 : i32
        %dma_start3A_210 = tpu.memref_slice %arg15[%dma_start3A_208, %dma_start3A_209] : memref<8192x64xf32, #tpu.memory_space<vmem_shared>> -> memref<8192x64xf32, #tpu.memory_space<vmem_shared>>
        tpu.enqueue_indirect_dma source(%dma_start3A_204 : memref<128x64xf32, #tpu.memory_space<vmem>>) target(%dma_start3A_210 : memref<8192x64xf32, #tpu.memory_space<vmem_shared>>) offsets(%dma_start3A_207 : memref<128xi32, #tpu.memory_space<vmem>>) semaphore(%run_scoped3A_201 : memref<!tpu.dma_semaphore, #tpu.memory_space<semaphore_mem>>) {add = true}
        %dma_wait3A_211 = arith.constant 896 : i32
        %dma_wait3A_212 = arith.constant 0 : i32
        %dma_wait3A_213 = tpu.memref_slice %arg13[%dma_wait3A_211, %dma_wait3A_212] : memref<1024x64xf32, #tpu.memory_space<vmem>> -> memref<128x64xf32, #tpu.memory_space<vmem>>
        %dma_wait3A_214 = arith.constant 0 : i32
        %dma_wait3A_215 = tpu.memref_slice %arg12[%run_scoped3A_199, %dma_wait3A_214] : memref<8x128xi32, #tpu.memory_space<vmem>> -> memref<1x128xi32, #tpu.memory_space<vmem>>
        %dma_wait3A_216 = tpu.memref_squeeze %dma_wait3A_215 : memref<1x128xi32, #tpu.memory_space<vmem>> -> memref<128xi32, #tpu.memory_space<vmem>>
        %dma_wait3A_217 = arith.constant 0 : i32
        %dma_wait3A_218 = arith.constant 0 : i32
        %dma_wait3A_219 = tpu.memref_slice %arg15[%dma_wait3A_217, %dma_wait3A_218] : memref<8192x64xf32, #tpu.memory_space<vmem_shared>> -> memref<8192x64xf32, #tpu.memory_space<vmem_shared>>
        tpu.wait_indirect_dma semaphore(%run_scoped3A_201 : memref<!tpu.dma_semaphore, #tpu.memory_space<semaphore_mem>>) src(%dma_wait3A_213 : memref<128x64xf32, #tpu.memory_space<vmem>>) dst(%dma_wait3A_219 : memref<8192x64xf32, #tpu.memory_space<vmem_shared>>)
        tpu.yield
      }) : () -> ()
      %run_scoped3A_200 = arith.constant 7 : i32
      "tpu.region"() ({
        %run_scoped3A_201 = tpu.sem_alloc : memref<!tpu.dma_semaphore, #tpu.memory_space<semaphore_mem>>
        %dma_start3A_202 = arith.constant 0 : i32
        %dma_start3A_203 = tpu.memref_slice %arg12[%run_scoped3A_200, %dma_start3A_202] : memref<8x128xi32, #tpu.memory_space<vmem>> -> memref<1x128xi32, #tpu.memory_space<vmem>>
        %dma_start3A_204 = tpu.memref_squeeze %dma_start3A_203 : memref<1x128xi32, #tpu.memory_space<vmem>> -> memref<128xi32, #tpu.memory_space<vmem>>
        %dma_start3A_205 = arith.constant 0 : i32
        %dma_start3A_206 = arith.constant 0 : i32
        %dma_start3A_207 = tpu.memref_slice %arg16[%dma_start3A_205, %dma_start3A_206] : memref<8192x16xf32, #tpu.memory_space<vmem_shared>> -> memref<8192x16xf32, #tpu.memory_space<vmem_shared>>
        tpu.enqueue_indirect_dma source(%arg14 : memref<128x16xf32, #tpu.memory_space<vmem>>) target(%dma_start3A_207 : memref<8192x16xf32, #tpu.memory_space<vmem_shared>>) offsets(%dma_start3A_204 : memref<128xi32, #tpu.memory_space<vmem>>) semaphore(%run_scoped3A_201 : memref<!tpu.dma_semaphore, #tpu.memory_space<semaphore_mem>>) {add = true}
        %dma_wait3A_208 = arith.constant 0 : i32
        %dma_wait3A_209 = tpu.memref_slice %arg12[%run_scoped3A_200, %dma_wait3A_208] : memref<8x128xi32, #tpu.memory_space<vmem>> -> memref<1x128xi32, #tpu.memory_space<vmem>>
        %dma_wait3A_210 = tpu.memref_squeeze %dma_wait3A_209 : memref<1x128xi32, #tpu.memory_space<vmem>> -> memref<128xi32, #tpu.memory_space<vmem>>
        %dma_wait3A_211 = arith.constant 0 : i32
        %dma_wait3A_212 = arith.constant 0 : i32
        %dma_wait3A_213 = tpu.memref_slice %arg16[%dma_wait3A_211, %dma_wait3A_212] : memref<8192x16xf32, #tpu.memory_space<vmem_shared>> -> memref<8192x16xf32, #tpu.memory_space<vmem_shared>>
        tpu.wait_indirect_dma semaphore(%run_scoped3A_201 : memref<!tpu.dma_semaphore, #tpu.memory_space<semaphore_mem>>) src(%arg14 : memref<128x16xf32, #tpu.memory_space<vmem>>) dst(%dma_wait3A_213 : memref<8192x16xf32, #tpu.memory_space<vmem_shared>>)
        tpu.yield
      }) : () -> ()
    }
    %scan3A_11 = arith.constant 25 : i32
    %barrier3A_12 = arith.constant 0 : index
    tpu.barrier barrier_id(%barrier3A_12)
    %mul3A_13 = arith.constant 8192 : i32
    %mul3A_14 = arith.muli %arg0, %mul3A_13 : i32
    %mul3A_15 = arith.constant 512 : i32
    %mul3A_16 = arith.muli %arg1, %mul3A_15 : i32
    %add3A_17 = arith.addi %mul3A_14, %mul3A_16 : i32
    %mul3A_18 = arith.constant 512 : i32
    %mul3A_19 = arith.muli %arg1, %mul3A_18 : i32
    "tpu.region"() ({
      %run_scoped3A = tpu.sem_alloc : memref<!tpu.dma_semaphore, #tpu.memory_space<semaphore_mem>>
      %dma_start3A = arith.constant 0 : i32
      %dma_start3A_22 = tpu.memref_slice %arg9[%add3A_17, %dma_start3A] : memref<16384x64xf32, #tpu.memory_space<hbm>> -> memref<512x64xf32, #tpu.memory_space<hbm>>
      %dma_start3A_23 = arith.constant 0 : i32
      %dma_start3A_24 = tpu.memref_slice %arg15[%mul3A_19, %dma_start3A_23] : memref<8192x64xf32, #tpu.memory_space<vmem_shared>> -> memref<512x64xf32, #tpu.memory_space<vmem_shared>>
      tpu.enqueue_dma source(%dma_start3A_24 : memref<512x64xf32, #tpu.memory_space<vmem_shared>>) target(%dma_start3A_22 : memref<512x64xf32, #tpu.memory_space<hbm>>) target_semaphore(%run_scoped3A : memref<!tpu.dma_semaphore, #tpu.memory_space<semaphore_mem>>)
      %dma_wait3A = arith.constant 0 : i32
      %dma_wait3A_25 = tpu.memref_slice %arg9[%add3A_17, %dma_wait3A] : memref<16384x64xf32, #tpu.memory_space<hbm>> -> memref<512x64xf32, #tpu.memory_space<hbm>>
      %dma_wait3A_26 = arith.constant 0 : i32
      %dma_wait3A_27 = tpu.memref_slice %arg15[%mul3A_19, %dma_wait3A_26] : memref<8192x64xf32, #tpu.memory_space<vmem_shared>> -> memref<512x64xf32, #tpu.memory_space<vmem_shared>>
      tpu.wait_dma2 semaphore(%run_scoped3A : memref<!tpu.dma_semaphore, #tpu.memory_space<semaphore_mem>>) src(%dma_wait3A_27 : memref<512x64xf32, #tpu.memory_space<vmem_shared>>) dst(%dma_wait3A_25 : memref<512x64xf32, #tpu.memory_space<hbm>>)
      tpu.yield
    }) : () -> ()
    %mul3A_20 = arith.constant 512 : i32
    %mul3A_21 = arith.muli %arg1, %mul3A_20 : i32
    "tpu.region"() ({
      %run_scoped3A = tpu.sem_alloc : memref<!tpu.dma_semaphore, #tpu.memory_space<semaphore_mem>>
      %dma_start3A = arith.constant 0 : i32
      %dma_start3A_22 = tpu.memref_slice %arg10[%add3A_17, %dma_start3A] : memref<16384x16xf32, #tpu.memory_space<hbm>> -> memref<512x16xf32, #tpu.memory_space<hbm>>
      %dma_start3A_23 = arith.constant 0 : i32
      %dma_start3A_24 = tpu.memref_slice %arg16[%mul3A_21, %dma_start3A_23] : memref<8192x16xf32, #tpu.memory_space<vmem_shared>> -> memref<512x16xf32, #tpu.memory_space<vmem_shared>>
      tpu.enqueue_dma source(%dma_start3A_24 : memref<512x16xf32, #tpu.memory_space<vmem_shared>>) target(%dma_start3A_22 : memref<512x16xf32, #tpu.memory_space<hbm>>) target_semaphore(%run_scoped3A : memref<!tpu.dma_semaphore, #tpu.memory_space<semaphore_mem>>)
      %dma_wait3A = arith.constant 0 : i32
      %dma_wait3A_25 = tpu.memref_slice %arg10[%add3A_17, %dma_wait3A] : memref<16384x16xf32, #tpu.memory_space<hbm>> -> memref<512x16xf32, #tpu.memory_space<hbm>>
      %dma_wait3A_26 = arith.constant 0 : i32
      %dma_wait3A_27 = tpu.memref_slice %arg16[%mul3A_21, %dma_wait3A_26] : memref<8192x16xf32, #tpu.memory_space<vmem_shared>> -> memref<512x16xf32, #tpu.memory_space<vmem_shared>>
      tpu.wait_dma2 semaphore(%run_scoped3A : memref<!tpu.dma_semaphore, #tpu.memory_space<semaphore_mem>>) src(%dma_wait3A_27 : memref<512x16xf32, #tpu.memory_space<vmem_shared>>) dst(%dma_wait3A_25 : memref<512x16xf32, #tpu.memory_space<hbm>>)
      tpu.yield
    }) : () -> ()
    return
  }
}

module attributes {stable_mosaic.version = 14 : i64} {
  func.func @body(%arg0: memref<16384x64xf32, #tpu.memory_space<vmem>>, %arg1: memref<16384x16xf32, #tpu.memory_space<vmem>>, %arg2: memref<8192x64xf32, #tpu.memory_space<vmem>>, %arg3: memref<1x64xf32, #tpu.memory_space<vmem>>) attributes {dimension_semantics = [], scalar_prefetch = 0 : i64, scratch_operands = 0 : i64, tpu.core_type = #tpu.core_type<tc>} {
    %get3A = arith.constant 0 : index
    %get3A_0 = arith.constant 0 : index
    %get3A_1 = vector.load %arg0[%get3A, %get3A_0] : memref<16384x64xf32, #tpu.memory_space<vmem>>, vector<8192x64xf32>
    %get3A_2 = arith.constant 8192 : index
    %get3A_3 = arith.constant 0 : index
    %get3A_4 = vector.load %arg0[%get3A_2, %get3A_3] : memref<16384x64xf32, #tpu.memory_space<vmem>>, vector<8192x64xf32>
    %add3A = arith.addf %get3A_1, %get3A_4 : vector<8192x64xf32>
    %get3A_5 = arith.constant 0 : index
    %get3A_6 = arith.constant 0 : index
    %get3A_7 = vector.load %arg1[%get3A_5, %get3A_6] : memref<16384x16xf32, #tpu.memory_space<vmem>>, vector<8192x1xf32>
    %get3A_8 = arith.constant 8192 : index
    %get3A_9 = arith.constant 0 : index
    %get3A_10 = vector.load %arg1[%get3A_8, %get3A_9] : memref<16384x16xf32, #tpu.memory_space<vmem>>, vector<8192x1xf32>
    %add3A_11 = arith.addf %get3A_7, %get3A_10 : vector<8192x1xf32>
    %gt3A = arith.constant 0.000000e+00 : f32
    %gt3A_12 = vector.broadcast %gt3A : f32 to vector<8192x1xf32>
    %gt3A_13 = arith.cmpf ogt, %add3A_11, %gt3A_12 : vector<8192x1xf32>
    %max3A = arith.constant 1.000000e+00 : f32
    %max3A_14 = vector.broadcast %max3A : f32 to vector<8192x1xf32>
    %max3A_15 = arith.maximumf %add3A_11, %max3A_14 : vector<8192x1xf32>
    %div3A = vector.broadcast %max3A_15 : vector<8192x1xf32> to vector<8192x64xf32>
    %div3A_16 = arith.divf %add3A, %div3A : vector<8192x64xf32>
    %jit3A = arith.constant 0.000000e+00 : f32
    %broadcast_in_dim3A = vector.shape_cast %gt3A_13 : vector<8192x1xi1> to vector<8192x1xi1>
    %broadcast_in_dim3A_17 = vector.broadcast %broadcast_in_dim3A : vector<8192x1xi1> to vector<8192x64xi1>
    %broadcast_in_dim3A_18 = vector.broadcast %jit3A : f32 to vector<8192x64xf32>
    %select_n3A = arith.select %broadcast_in_dim3A_17, %div3A_16, %broadcast_in_dim3A_18 : vector<8192x64xi1>, vector<8192x64xf32>
    %swap3A = arith.constant 0 : index
    %swap3A_19 = arith.constant 0 : index
    %swap3A_20 = vector.load %arg2[%swap3A, %swap3A_19] : memref<8192x64xf32, #tpu.memory_space<vmem>>, vector<8192x64xf32>
    tpu.vector_store %arg2[%swap3A, %swap3A_19], %select_n3A {strides = array<i32>} : memref<8192x64xf32, #tpu.memory_space<vmem>>, vector<8192x64xf32>,
    %reduce_sum3A = arith.constant dense<0.000000e+00> : vector<64xf32>
    %reduce_sum3A_21 = vector.multi_reduction <add>, %select_n3A, %reduce_sum3A [0] : vector<8192x64xf32> to vector<64xf32>
    %broadcast_in_dim3A_22 = vector.shape_cast %reduce_sum3A_21 : vector<64xf32> to vector<1x64xf32>
    %mul3A = arith.constant 1.22070313E-4 : f32
    %mul3A_23 = vector.broadcast %mul3A : f32 to vector<1x64xf32>
    %mul3A_24 = arith.mulf %broadcast_in_dim3A_22, %mul3A_23 : vector<1x64xf32>
    %swap3A_25 = arith.constant 0 : index
    %swap3A_26 = arith.constant 0 : index
    %swap3A_27 = vector.load %arg3[%swap3A_25, %swap3A_26] : memref<1x64xf32, #tpu.memory_space<vmem>>, vector<1x64xf32>
    tpu.vector_store %arg3[%swap3A_25, %swap3A_26], %mul3A_24 {strides = array<i32>} : memref<1x64xf32, #tpu.memory_space<vmem>>, vector<1x64xf32>,
    return
  }
}

</mosaic_0001>

<sc_bundles>
// kernel: kernel.4.cloned.1.call-start
scs
__scs_entry_jumppad:
0x0: {  	(pc) =	sbr.rel $0x88, $3  }
0x1: {  	(tag) =	ssettag $0x0;
	lr =	simm.s32 $0x1  }
0x2: {  	[smem:$0x3F9E] =	sst lr;
	_ =	strace $0xD0000000  }
0x3: {  	_ = 	snop  }
0x4: {  	_ = 	snop  }
0x5: {  	_ = 	snop  }
0x6: {  	_ = 	snop  }
0x7: {  	_ = 	snop  }
__scs_overlays_trampoline_lowered:
0x8: {  	[smem:$0x3FAD] =	sst s0  }
0x9: {  	[smem:$0x3FAE] =	sst s1  }
0xa: {  	[smem:$0x3FAF] =	sst s2  }
0xb: {  	[smem:$0x3FB0] =	sst s3  }
0xc: {  	[smem:$0x3FB1] =	sst s4  }
0xd: {  	[smem:$0x3FB2] =	sst s5  }
0xe: {  	[smem:$0x3FB3] =	sst s6  }
0xf: {  	[smem:$0x3FB4] =	sst s7  }
0x10: {  	[smem:$0x3FB5] =	sst s8  }
0x11: {  	[smem:$0x3FB6] =	sst s9;
	s0 =	simm.s32 @!p0 $0x0  }
0x12: {  	s1 =	sld [smem:$0x3F9C];
	s0 =	simm.s32 @p0 $0x1  }
0x13: {  	[smem:$0x3FB7] =	sst s0;
	s0 =	simm.s32 @!p1 $0x0  }
0x14: {  	s2 =	sld [smem:$0x3F9B];
	s0 =	simm.s32 @p1 $0x1  }
0x15: {  	[smem:$0x3FB8] =	sst s0;
	s0 =	simm.s32 @!p2 $0x0  }
0x16: {  	s3 =	sld [smem:$0x3FDB];
	s0 =	simm.s32 @p2 $0x1  }
0x17: {  	s4 =	simm.s32 $0x1BF5;
	[smem:$0x3FBA] =	sst s0  }
0x18: {  	s0 =	sld [smem:$0x3F9D];
	_ =	swait.ge [sflag:s4], $0x0  }
0x19: {  	s7 =	sld [smem:$0x3F9E]  }
0x1a: {  	s8 =	sadd.s32 $0xFFFFE003, lr  }
0x1b: {  	s9 =	sadd.s32 $0xFFFFFEF7, lr;
	s5 =	simm.s32 $0xFFFFFFFF;
	p2 =	slt.u32 s8, $0xFFFFF086  }
0x1c: {  	p1 =	slt.u32 s9, $0xF7A;
	s5 =	simm.s32 @!p2 $0x0  }
0x1d: {  	s5 =	simm.s32 @p1 $0x1;
	p0 =	seq.s32 s7, s2  }
0x1e: {  	s7 =	smul.u32 @!p0 $0xF7A, s2;
	p2 =	seq.s32 @!p0 s5, $0x0  }
0x1f: {  	s9 =	smul.u32 $0xF7A, s1;
	s8 =	simm.s32 @!p0 $0x1BF5;
	p2 =	por !p2, p0  }
0x20: {  	[sflag:s8] =	ssyncset.s32 @!p0 $0xFFFFF086;
	s6 =	sadd.s32 @!p0 s3, s7;
	s7 =	simm.s32 @!p0 $0x108  }
0x21: {  	s3 =	sadd.s32 s3, s9;
	s6 =	sadd.s32 @!p0 $0x88, s6;
	s7 =	simm.s32 @p2 $0x1082  }
0x22: {  	[simem:s7], [sflag:s8] =	dma.local @!p0 [hbm:s6], $0xF7A  }
0x23: {  	s9 =	sor.u32 $0xD0000000, s2;
	s6 =	simm.s32 $0x108;
	_ =	swait.ge @!p0 [sflag:s8], $0x0  }
0x24: {  	s3 =	sadd.s32 $0x88, s3;
	s6 =	simm.s32 @!p1 $0x1082;
	[sflag:s4] =	ssyncset.s32 $0xFFFFF086  }
0x25: {  	[simem:s6], [sflag:s4] =	dma.local [hbm:s3], $0xF7A  }
0x26: {  	[smem:$0x3F9E] =	sst s1;
	(tag) =	ssettag s2;
	_ =	strace s9  }
0x27: {  	s1 =	sld [smem:$0x3FAE]  }
0x28: {  	s2 =	sld [smem:$0x3FAF]  }
0x29: {  	s4 =	sld [smem:$0x3FB1]  }
0x2a: {  	p0 =	seq.s32 s5, $0x0;
	s5 =	sld [smem:$0x3FB2]  }
0x2b: {  	s6 =	sld [smem:$0x3FB3]  }
0x2c: {  	s7 =	sld [smem:$0x3FB4]  }
0x2d: {  	s3 =	simm.s32 $0x108;
	s8 =	sld [smem:$0x3FB5]  }
0x2e: {  	s3 =	simm.s32 @!p0 $0x1082;
	s9 =	sld [smem:$0x3FB6]  }
0x2f: {  	lr =	sadd.s32 s0, s3;
	s0 =	sld [smem:$0x3FAD]  }
0x30: {  	s3 =	sld [smem:$0x3FB0]  }
0x31: {  	[smem:$0x3FB9] =	sst s10  }
0x32: {  	s10 =	sld [smem:$0x3FB7];
	_ =	sdelay $0x3  }
0x33: {  	p0 =	seq.s32 s10, $0x1;
	s10 =	sld [smem:$0x3FB9];
	_ =	sdelay $0x3  }
0x34: {  	[smem:$0x3FB9] =	sst s10  }
0x35: {  	s10 =	sld [smem:$0x3FB8];
	_ =	sdelay $0x3  }
0x36: {  	p1 =	seq.s32 s10, $0x1;
	s10 =	sld [smem:$0x3FB9];
	_ =	sdelay $0x3  }
0x37: {  	[smem:$0x3FB9] =	sst s10  }
0x38: {  	s10 =	sld [smem:$0x3FBA]  }
0x39: {  	_ = 	snop;
	(pc) =	sbr.ind lr, $3  }
0x3a: {  	_ = 	snop  }
0x3b: {  	_ = 	snop  }
0x3c: {  	p2 =	seq.s32 s10, $0x1;
	s10 =	sld [smem:$0x3FB9]  }
0x3d: {  	_ =	shalt  }
0x3e: {  	_ =	shalt  }
0x3f: {  	_ =	shalt  }
0x40: {  	_ =	shalt  }
0x41: {  	_ =	shalt  }
0x42: {  	_ =	shalt  }
0x43: {  	_ =	shalt  }
0x44: {  	_ =	shalt  }
0x45: {  	_ =	shalt  }
0x46: {  	_ =	shalt  }
0x47: {  	_ =	shalt  }
0x48: {  	_ =	shalt  }
0x49: {  	_ =	shalt  }
0x4a: {  	_ =	shalt  }
0x4b: {  	_ =	shalt  }
0x4c: {  	_ =	shalt  }
0x4d: {  	_ =	shalt  }
0x4e: {  	_ =	shalt  }
0x4f: {  	_ =	shalt  }
0x50: {  	_ =	shalt  }
0x51: {  	_ =	shalt  }
0x52: {  	_ =	shalt  }
0x53: {  	_ =	shalt  }
0x54: {  	_ =	shalt  }
0x55: {  	_ =	shalt  }
0x56: {  	_ =	shalt  }
0x57: {  	_ =	shalt  }
0x58: {  	_ =	shalt  }
0x59: {  	_ =	shalt  }
0x5a: {  	_ =	shalt  }
0x5b: {  	_ =	shalt  }
0x5c: {  	_ =	shalt  }
0x5d: {  	_ =	shalt  }
0x5e: {  	_ =	shalt  }
0x5f: {  	_ =	shalt  }
0x60: {  	_ =	shalt  }
0x61: {  	_ =	shalt  }
0x62: {  	_ =	shalt  }
0x63: {  	_ =	shalt  }
0x64: {  	_ =	shalt  }
0x65: {  	_ =	shalt  }
0x66: {  	_ =	shalt  }
0x67: {  	_ =	shalt  }
0x68: {  	_ =	shalt  }
0x69: {  	_ =	shalt  }
0x6a: {  	_ =	shalt  }
0x6b: {  	_ =	shalt  }
0x6c: {  	_ =	shalt  }
0x6d: {  	_ =	shalt  }
0x6e: {  	_ =	shalt  }
0x6f: {  	_ =	shalt  }
0x70: {  	_ =	shalt  }
0x71: {  	_ =	shalt  }
0x72: {  	_ =	shalt  }
0x73: {  	_ =	shalt  }
0x74: {  	_ =	shalt  }
0x75: {  	_ =	shalt  }
0x76: {  	_ =	shalt  }
0x77: {  	_ =	shalt  }
0x78: {  	_ =	shalt  }
0x79: {  	_ =	shalt  }
0x7a: {  	_ =	shalt  }
0x7b: {  	_ =	shalt  }
0x7c: {  	_ =	shalt  }
0x7d: {  	_ =	shalt  }
0x7e: {  	_ =	shalt  }
0x7f: {  	_ =	shalt  }
0x80: {  	_ =	shalt  }
0x81: {  	_ =	shalt  }
0x82: {  	_ =	shalt  }
0x83: {  	_ =	shalt  }
0x84: {  	_ =	shalt  }
0x85: {  	_ =	shalt  }
0x86: {  	_ =	shalt  }
0x87: {  	_ =	shalt  }
.Lfunc_end0:
.L_simem_size_0:
called_computation.1_lowered:
.L_overlay_start_0:
0x88: {  	s2 =	sld [smem:$0x3FD9]  }
0x89: {  	s3 =	sld [smem:$0x3FFE];
	_ =	sdelay $0x1  }
0x8a: {  	s1 =	srdreg.scid  }
0x8b: {  	s0 =	sand.u32 $0x1, s1  }
0x8c: {  	s14 =	sshll.u32 s0, $0xA;
	s2 =	sadd.s32 s3, s2  }
0x8d: {  	s2 =	sadd.s32 s2, s14  }
0x8e: {  	[smem:$0x3FC5] =	sst s2  }
0x8f: {  	_ = 	snop  }
0x90: {  	s2 =	sld [smem:$0x3FD0];
	_ =	sdelay $0x1  }
0x91: {  	s15 =	sld [smem:$0x3FC9]  }
0x92: {  	s5 =	simm.s32 $0xA;
	s6 =	simm.s32 $0x10;
	s4 =	sld [smem:$0x3FC8]  }
0x93: {  	[smem:s6], [sflag:s5] =	dma.local [hbm:s2], $0x1  }
0x94: {  	_ =	swait.eq [sflag:s5], $0x1  }
0x95: {  	[sflag:s5] =	ssyncset.done $0x0  }
0x96: {  	s16 =	sld [smem:$0x10];
	[sflag:s5] =	ssyncadd.s32 $0xFFFFFFFF  }
0x97: {  	s17 =	sld [smem:$0x11];
	(tm) =	ssettm $0x1  }
0x98: {  	s18 =	sld [smem:$0x3FFB];
	_ =	sdelay $0x3  }
0x99: {  	_ =	strace s18  }
0x9a: {  	s6 =	sld [smem:$0x3FFC];
	_ =	sdelay $0x3  }
0x9b: {  	_ =	strace s6  }
0x9c: {  	s6 =	sld [smem:$0x3FFD];
	_ =	sdelay $0x3  }
0x9d: {  	_ =	strace s6  }
0x9e: {  	_ =	strace $0x8FFFFFFF  }
0x9f: {  	s19 =	sld [smem:$0x3FDB];
	_ =	sdelay $0x1  }
0xa0: {  	s7 =	simm.s32 $_scs_section_size  }
0xa1: {  	s8 =	simm.s32 $_size__tile_overlayer_lowered;
	s9 =	simm.s32 $_tile_overlayer_lowered  }
0xa2: {  	s22 =	simm.s32 $0x1BFF;
	s21 =	sshll.u32 s9, $0x1;
	s6 =	sadd.s32 s7, s19  }
0xa3: {  	s10 =	simm.s32 $0x0;
	s20 =	sshll.u32 s8, $0x1;
	s8 =	sadd.s32 s21, s6  }
0xa4: {  	[timem:s10], [sflag:s22] =	dma.local [hbm:s8], s20  }
0xa5: {  	_ =	swait.ge [sflag:s22], s20  }
0xa6: {  	s7 =	ssub.s32 $0x0, s20;
	[sflag:s22] =	ssyncset.done $0x0  }
0xa7: {  	[sflag:s22] =	ssyncadd.s32 s7;
	_ =	sdelay $0x1  }
0xa8: {  	s23 =	simm.s32 $0x1B8B  }
0xa9: {  	_ =	swait.ge [sflag:s23], $0x1  }
0xaa: {  	[sflag:s23] =	ssyncset.done $0x0  }
0xab: {  	s25 =	simm.s32 $0x1B8E;
	s24 =	sld [smem:$0x3FFE];
	[sflag:s23] =	ssyncadd.s32 $0xFFFFFFFF  }
0xac: {  	s26 =	simm.s32 $execute0_lowered;
	[smem:$0x3FD2] =	sst s25  }
0xad: {  	s8 =	sshll.u32 s26, $0x1;
	_ =	strace $0x80000046;
	[dreg:$0x1] =	wrdreg $0xFFFFFFFF  }
0xae: {  	s28 =	simm.s32 $_size_execute0_lowered;
	s6 =	sadd.s32 s6, s8;
	[dreg:$0x0] =	wrdreg $0x0  }
0xaf: {  	s8 =	sshll.u32 s28, $0x1;
	[dreg:$0x2] =	wrdreg s6  }
0xb0: {  	[dreg:$0x3] =	wrdreg s8  }
0xb1: {  	[dreg:$0x4] =	wrdreg $0xC0  }
0xb2: {  	_ =	task [dreg:s10], $0x5FFFF  }
0xb3: {  	[dreg:$0x1] =	wrdreg $0xFFFFFFFF  }
0xb4: {  	[dreg:$0x0] =	wrdreg $0x60  }
0xb5: {  	[dreg:$0x2] =	wrdreg s15  }
0xb6: {  	[dreg:$0x3] =	wrdreg s4  }
0xb7: {  	[dreg:$0x4] =	wrdreg s24  }
0xb8: {  	[dreg:$0x5] =	wrdreg s16  }
0xb9: {  	[dreg:$0x6] =	wrdreg s17  }
0xba: {  	[dreg:$0x7] =	wrdreg $0x110000  }
0xbb: {  	[dreg:$0x8] =	wrdreg $0x190000  }
0xbc: {  	[dreg:$0x9] =	wrdreg $0x9  }
0xbd: {  	_ =	task.clear_ibuf [dreg:s10], $0xAFFFF;
	_ =	strace $0x90000046  }
0xbe: {  	s29 =	simm.s32 $0x9;
	_ =	strace $0x80000048  }
0xbf: {  	_ =	swait.ge [sflag:s29], $0x1  }
0xc0: {  	[sflag:s29] =	ssyncadd.s32 $0xFFFFFFFF  }
0xc1: {  	_ =	strace $0x90000048  }
0xc2: {  	_ =	sfence  }
0xc3: {  	s30 =	sld [smem:$0x0];
	_ =	sdelay $0x2  }
0xc4: {  	s31 =	sshll.u32 s1, $0xD;
	s1 =	sshrl.u32 s1, $0x2  }
0xc5: {  	s3 =	sand.u32 $0x4000, s31;
	s1 =	sadd.s32 s1, s30  }
0xc6: {  	s0 =	sor.u32 s3, s0;
	s1 =	sshll.u32 s1, $0x11  }
0xc7: {  	s0 =	sor.u32 s1, s0  }
0xc8: {  	s0 =	sadd.s32 $0x8F2B, s0  }
0xc9: {  	[sflag:s0] =	ssyncadd.remote.s32 $0x1  }
0xca: {  	_ =	sfence.sel $0xFFFF  }
0xcb: {  	[dreg:$0x0] =	wrdreg $0xFFFFFFFF;
	(pc) =	sbr.abs _section_cstart, $3  }
0xcc: {  	[dreg:$0x1] =	wrdreg $0xFFFFFFFF  }
0xcd: {  	_ =	task.clear_ibuf [dreg:s10], $0x2FFFF;
	_ =	strace $0x9FFFFFFF  }
0xce: {  	(tm) =	ssettm $0x7FFFFFFF  }
0xcf: {  	_ =	shalt  }
tec
execute0_lowered:
.L_overlay_start_1:
0x0: {  	(tag) =	ssettag $0x1  }
0x1: {  	s0 =	rddreg [dreg:$0x0]  }
0x2: {  	s3 =	rddreg [dreg:$0x1]  }
0x3: {  	s6 =	rddreg [dreg:$0x2]  }
0x4: {  	s7 =	rddreg [dreg:$0x3]  }
0x5: {  	s8 =	rddreg [dreg:$0x4]  }
0x6: {  	s1 =	rddreg [dreg:$0x5]  }
0x7: {  	s2 =	rddreg [dreg:$0x6];
	s4 =	simm.s32 $0x0;
	s5 =	srdreg.scid  }
0x8: {  	s19 =	stileid.u32;
	s28 =	simm.s32 $0x380;
	s29 =	simm.s32 $0xE800  }
0x9: {  	s30 =	simm.s32 $0x1;
	s31 =	simm.s32 $0x480;
	[smem:$0x7FF] =	sst s4  }
0xa: {  	s10 =	sand.u32 $0x1, s5;
	s9 =	sshll.u32 s19, $0x9;
	s5 =	sadd.s32 $0xF43600, s6  }
0xb: {  	s12 =	sadd.s32 $0x1200, s6;
	s21 =	sadd.s32 $0x2200, s6;
	s13 =	sadd.s32 $0x2600, s6  }
0xc: {  	s25 =	sshll.u32 s19, $0xF;
	s26 =	smul.u32 $0xC800, s19;
	s14 =	sshll.u32 s19, $0x6  }
0xd: {  	s15 =	sshll.u32 s19, $0xD;
	_ =	strace $0x80000047;
	[dreg:$0xf] =	wrdreg s12  }
0xe: {  	s11 =	sshll.u32 s10, $0xD;
	[dreg:$0x10] =	wrdreg s21;
	s23 =	ssub.s32 $0x2, s10  }
0xf: {  	[dreg:$0x11] =	wrdreg s13;
	s16 =	smul.u32 $0x6400, s10;
	s17 =	sadd.s32 s25, s1  }
0x10: {  	s18 =	sadd.s32 s15, s2;
	s10 =	smul.u32 $0x32000, s10;
	s25 =	simm.s32 $0x280  }
0x11: {  	s11 =	sor.u32 s9, s11;
	s24 =	sshrl.u32 s23, $0x1;
	s9 =	sor.u32 $0x1C02, s14  }
0x12: {  	s13 =	sshrl.u32 s17, $0x3;
	s17 =	simm.s32 $0x10800;
	[dreg:$0xd] =	wrdreg s25  }
0x13: {  	s25 =	simm.s32 $0xA800;
	s22 =	sshll.u32 s11, $0x3;
	s12 =	ssub.s32 s23, s24  }
0x14: {  	s14 =	sshll.u32 s11, $0x1;
	s15 =	sadd.s32 s16, s26;
	s16 =	smul.u32 $0x64000, s19  }
0x15: {  	s23 =	simm.s32 $0x180;
	s24 =	simm.s32 $0x200;
	s26 =	simm.s32 $0x300  }
0x16: {  	s11 =	simm.s32 $0x0;
	[dreg:$0x16] =	wrdreg s13;
	s6 =	sadd.s32 s22, s6  }
0x17: {  	s19 =	sshrl.u32 s15, $0x3;
	s20 =	smax.u32 s12, $0x1;
	[dreg:$0xb] =	wrdreg s23  }
0x18: {  	s15 =	simm.s32 $0x2;
	s22 =	simm.s32 $0x100;
	[dreg:$0xc] =	wrdreg s24  }
0x19: {  	s23 =	simm.s32 $0x6800;
	s24 =	simm.s32 $0x8800;
	[dreg:$0xe] =	wrdreg s26  }
0x1a: {  	s26 =	simm.s32 $0xC800;
	s6 =	sadd.s32 $0x2800, s6;
	[dreg:$0x14] =	wrdreg s20  }
0x1b: {  	s3 =	sadd.s32 s19, s3;
	s0 =	sadd.s32 s19, s0;
	[dreg:$0xa] =	wrdreg s22  }
0x1c: {  	s19 =	simm.s32 $0x80;
	s20 =	simm.s32 $0x800;
	[dreg:$0x12] =	wrdreg s6  }
0x1d: {  	s22 =	simm.s32 $0x4800;
	s6 =	sadd.s32 s8, s14;
	[dreg:$0x8] =	wrdreg s3  }
0x1e: {  	[dreg:$0x9] =	wrdreg s0;
	s14 =	sshrl.u32 s18, $0x3;
	s18 =	simm.s32 $0x400  }
0x1f: {  	s0 =	simm.s32 $0x500;
	s3 =	simm.s32 $0x580;
	s8 =	simm.s32 $0x700  }
0x20: {  	[dreg:$0x13] =	wrdreg s6;
	s6 =	sadd.s32 s16, s7;
	s7 =	simm.s32 $0x680  }
0x21: {  	[dreg:$0x17] =	wrdreg s14;
	s21 =	sadd.s32 s10, s6;
	s6 =	simm.s32 $0x600  }
0x22: {  	s10 =	simm.s32 $0x780;
	[dreg:$0x15] =	wrdreg s21;
	s21 =	simm.s32 $0x2800  }
.LBB2_1:
0x23: {  	s12 =	rddreg [dreg:$0xf]  }
0x24: {  	[spmem:s13], [sflag:s9] =	dma.local [hbm:s12], $0x1000  }
0x25: {  	_ =	swait.ge [sflag:s15], $0x1000  }
0x26: {  	[sflag:s15] =	ssyncset.done $0x0  }
0x27: {  	s16 =	rddreg [dreg:$0x10];
	[sflag:s15] =	ssyncadd.s32 $0xFFFFF000  }
0x28: {  	[spmem:s14], [sflag:s9] =	dma.local [hbm:s16], $0x400  }
0x29: {  	_ =	swait.ge [sflag:s15], $0x400  }
0x2a: {  	[sflag:s15] =	ssyncset.done $0x0  }
0x2b: {  	s13 =	rddreg [dreg:$0x11];
	[sflag:s15] =	ssyncadd.s32 $0xFFFFFC00  }
0x2c: {  	[tilespmem:s17], [sflag:$0x2] =	stream.linear.gather [hbm4b:s13+s4], $0x800, $0x38;
	[tilespmem:$0x1B000] =	vst v63  }
0x2d: {  	_ =	swait.ge [sflag:s15], $0x800  }
0x2e: {  	[sflag:s15] =	ssyncset.done $0x0  }
0x2f: {  	[sflag:s15] =	ssyncadd.s32 $0xFFFFF800  }
0x30: {  	[bflag:$0x0] =	sbarrier.arrive $0xFFFF  }
0x31: {  	s14 =	rddreg [dreg:$0x9]  }
0x32: {  	s12 =	sadd.s32 $0x0, s14  }
0x33: {  	[tilespmem:s4], [sflag:$0x2] =	stream.linear.gather [hbm4b:s12+s4], $0x400, $0x38;
	[tilespmem:$0x1B000] =	vst v63  }
0x34: {  	_ =	swait.ge [sflag:s15], $0x400  }
0x35: {  	s16 =	rddreg [dreg:$0x8];
	[sflag:s15] =	ssyncset.done $0x0  }
0x36: {  	[sflag:s15] =	ssyncadd.s32 $0xFFFFFC00;
	s12 =	sadd.s32 $0x0, s16  }
0x37: {  	[tilespmem:s18], [sflag:$0x2] =	stream.linear.gather [hbm4b:s12+s4], $0x400, $0x38;
	[tilespmem:$0x1B000] =	vst v63  }
0x38: {  	_ =	swait.ge [sflag:s15], $0x400  }
0x39: {  	[sflag:s15] =	ssyncset.done $0x0  }
0x3a: {  	[sflag:s15] =	ssyncadd.s32 $0xFFFFFC00  }
0x3b: {  	[tilespmem:s20], [sflag:$0x1] =	stream.indirect.gather [hbm4b:s5+s19], $0x40, s4, s19, $0xb8;
	[tilespmem:$0x1B000] =	vst v63  }
0x3c: {  	_ = 	snop  }
0x3d: {  	[tilespmem:s21], [sflag:$0x1] =	stream.indirect.gather [hbm4b:s5+s19], $0x40, s19, s19, $0xb8;
	[tilespmem:$0x1B000] =	vst v63  }
0x3e: {  	s13 =	rddreg [dreg:$0xa]  }
0x3f: {  	[tilespmem:s22], [sflag:$0x1] =	stream.indirect.gather [hbm4b:s5+s19], $0x40, s13, s19, $0xb8;
	[tilespmem:$0x1B000] =	vst v63  }
0x40: {  	s14 =	rddreg [dreg:$0xb]  }
0x41: {  	[tilespmem:s23], [sflag:$0x1] =	stream.indirect.gather [hbm4b:s5+s19], $0x40, s14, s19, $0xb8;
	[tilespmem:$0x1B000] =	vst v63  }
0x42: {  	s16 =	rddreg [dreg:$0xc]  }
0x43: {  	[tilespmem:s24], [sflag:$0x1] =	stream.indirect.gather [hbm4b:s5+s19], $0x40, s16, s19, $0xb8;
	[tilespmem:$0x1B000] =	vst v63  }
0x44: {  	s14 =	rddreg [dreg:$0xd]  }
0x45: {  	[tilespmem:s25], [sflag:$0x1] =	stream.indirect.gather [hbm4b:s5+s19], $0x40, s14, s19, $0xb8;
	[tilespmem:$0x1B000] =	vst v63  }
0x46: {  	s16 =	rddreg [dreg:$0xe]  }
0x47: {  	[tilespmem:s26], [sflag:$0x1] =	stream.indirect.gather [hbm4b:s5+s19], $0x40, s16, s19, $0xb8;
	[tilespmem:$0x1B000] =	vst v63  }
0x48: {  	_ = 	snop  }
0x49: {  	[tilespmem:s29], [sflag:$0x1] =	stream.indirect.gather [hbm4b:s5+s19], $0x40, s28, s19, $0xb8;
	[tilespmem:$0x1B000] =	vst v63  }
0x4a: {  	_ =	swait.ge [sflag:s30], $0x2000  }
0x4b: {  	[sflag:s30] =	ssyncset.done $0x0  }
0x4c: {  	[sflag:s30] =	ssyncadd.s32 $0xFFFFE000  }
0x4d: {  	_ =	swait.ge [sflag:s30], $0x2000  }
0x4e: {  	[sflag:s30] =	ssyncset.done $0x0  }
0x4f: {  	[sflag:s30] =	ssyncadd.s32 $0xFFFFE000  }
0x50: {  	_ =	swait.ge [sflag:s30], $0x2000  }
0x51: {  	[sflag:s30] =	ssyncset.done $0x0  }
0x52: {  	[sflag:s30] =	ssyncadd.s32 $0xFFFFE000  }
0x53: {  	_ =	swait.ge [sflag:s30], $0x2000  }
0x54: {  	[sflag:s30] =	ssyncset.done $0x0  }
0x55: {  	[sflag:s30] =	ssyncadd.s32 $0xFFFFE000  }
0x56: {  	_ =	swait.ge [sflag:s30], $0x2000  }
0x57: {  	[sflag:s30] =	ssyncset.done $0x0  }
0x58: {  	[sflag:s30] =	ssyncadd.s32 $0xFFFFE000  }
0x59: {  	_ =	swait.ge [sflag:s30], $0x2000  }
0x5a: {  	[sflag:s30] =	ssyncset.done $0x0  }
0x5b: {  	[sflag:s30] =	ssyncadd.s32 $0xFFFFE000  }
0x5c: {  	_ =	swait.ge [sflag:s30], $0x2000  }
0x5d: {  	[sflag:s30] =	ssyncset.done $0x0  }
0x5e: {  	[sflag:s30] =	ssyncadd.s32 $0xFFFFE000  }
0x5f: {  	_ =	swait.ge [sflag:s30], $0x2000  }
0x60: {  	[sflag:s30] =	ssyncset.done $0x0  }
0x61: {  	s13 =	rddreg [dreg:$0x15];
	[sflag:s30] =	ssyncadd.s32 $0xFFFFE000  }
0x62: {  	[hbm4b:s13+s4] =	stream.linear.scatter [tilespmem:s20], [sflag:$0x2], $0x10000, $0x38;
	[tilespmem:$0x1B000] =	vst v63  }
0x63: {  	_ =	swait.ge [sflag:s15], $0x10000  }
0x64: {  	[sflag:s15] =	ssyncset.done $0x0  }
0x65: {  	[sflag:s15] =	ssyncadd.s32 $0xFFFF0000  }
0x66: {  	[spmem:s1] =	stream.indirect.scatter.add.f32 [tilespmem:s20], [sflag:$0x2], $0x40, s18, s19, $0xb8;
	[tilespmem:$0x1B000] =	vst v63  }
0x67: {  	_ =	swait.ge [sflag:s15], $0x2000  }
0x68: {  	[sflag:s15] =	ssyncset.done $0x0  }
0x69: {  	[sflag:s15] =	ssyncadd.s32 $0xFFFFE000  }
0x6a: {  	[spmem:s2] =	stream.indirect.scatter.add.f32 [tilespmem:s17], [sflag:$0x2], $0x10, s18, s19, $0xb8;
	[tilespmem:$0x1B000] =	vst v63  }
0x6b: {  	_ =	swait.ge [sflag:s15], $0x800  }
0x6c: {  	[sflag:s15] =	ssyncset.done $0x0  }
0x6d: {  	[sflag:s15] =	ssyncadd.s32 $0xFFFFF800  }
0x6e: {  	[spmem:s1] =	stream.indirect.scatter.add.f32 [tilespmem:s21], [sflag:$0x2], $0x40, s31, s19, $0xb8;
	[tilespmem:$0x1B000] =	vst v63  }
0x6f: {  	_ =	swait.ge [sflag:s15], $0x2000  }
0x70: {  	[sflag:s15] =	ssyncset.done $0x0  }
0x71: {  	[sflag:s15] =	ssyncadd.s32 $0xFFFFE000  }
0x72: {  	[spmem:s2] =	stream.indirect.scatter.add.f32 [tilespmem:s17], [sflag:$0x2], $0x10, s31, s19, $0xb8;
	[tilespmem:$0x1B000] =	vst v63  }
0x73: {  	_ =	swait.ge [sflag:s15], $0x800  }
0x74: {  	[sflag:s15] =	ssyncset.done $0x0  }
0x75: {  	[sflag:s15] =	ssyncadd.s32 $0xFFFFF800  }
0x76: {  	[spmem:s1] =	stream.indirect.scatter.add.f32 [tilespmem:s22], [sflag:$0x2], $0x40, s0, s19, $0xb8;
	[tilespmem:$0x1B000] =	vst v63  }
0x77: {  	_ =	swait.ge [sflag:s15], $0x2000  }
0x78: {  	[sflag:s15] =	ssyncset.done $0x0  }
0x79: {  	[sflag:s15] =	ssyncadd.s32 $0xFFFFE000  }
0x7a: {  	[spmem:s2] =	stream.indirect.scatter.add.f32 [tilespmem:s17], [sflag:$0x2], $0x10, s0, s19, $0xb8;
	[tilespmem:$0x1B000] =	vst v63  }
0x7b: {  	_ =	swait.ge [sflag:s15], $0x800  }
0x7c: {  	[sflag:s15] =	ssyncset.done $0x0  }
0x7d: {  	[sflag:s15] =	ssyncadd.s32 $0xFFFFF800  }
0x7e: {  	[spmem:s1] =	stream.indirect.scatter.add.f32 [tilespmem:s23], [sflag:$0x2], $0x40, s3, s19, $0xb8;
	[tilespmem:$0x1B000] =	vst v63  }
0x7f: {  	_ =	swait.ge [sflag:s15], $0x2000  }
0x80: {  	[sflag:s15] =	ssyncset.done $0x0  }
0x81: {  	[sflag:s15] =	ssyncadd.s32 $0xFFFFE000  }
0x82: {  	[spmem:s2] =	stream.indirect.scatter.add.f32 [tilespmem:s17], [sflag:$0x2], $0x10, s3, s19, $0xb8;
	[tilespmem:$0x1B000] =	vst v63  }
0x83: {  	_ =	swait.ge [sflag:s15], $0x800  }
0x84: {  	[sflag:s15] =	ssyncset.done $0x0  }
0x85: {  	[sflag:s15] =	ssyncadd.s32 $0xFFFFF800  }
0x86: {  	[spmem:s1] =	stream.indirect.scatter.add.f32 [tilespmem:s24], [sflag:$0x2], $0x40, s6, s19, $0xb8;
	[tilespmem:$0x1B000] =	vst v63  }
0x87: {  	_ =	swait.ge [sflag:s15], $0x2000  }
0x88: {  	[sflag:s15] =	ssyncset.done $0x0  }
0x89: {  	[sflag:s15] =	ssyncadd.s32 $0xFFFFE000  }
0x8a: {  	[spmem:s2] =	stream.indirect.scatter.add.f32 [tilespmem:s17], [sflag:$0x2], $0x10, s6, s19, $0xb8;
	[tilespmem:$0x1B000] =	vst v63  }
0x8b: {  	_ =	swait.ge [sflag:s15], $0x800  }
0x8c: {  	[sflag:s15] =	ssyncset.done $0x0  }
0x8d: {  	[sflag:s15] =	ssyncadd.s32 $0xFFFFF800  }
0x8e: {  	[spmem:s1] =	stream.indirect.scatter.add.f32 [tilespmem:s25], [sflag:$0x2], $0x40, s7, s19, $0xb8;
	[tilespmem:$0x1B000] =	vst v63  }
0x8f: {  	_ =	swait.ge [sflag:s15], $0x2000  }
0x90: {  	[sflag:s15] =	ssyncset.done $0x0  }
0x91: {  	[sflag:s15] =	ssyncadd.s32 $0xFFFFE000  }
0x92: {  	[spmem:s2] =	stream.indirect.scatter.add.f32 [tilespmem:s17], [sflag:$0x2], $0x10, s7, s19, $0xb8;
	[tilespmem:$0x1B000] =	vst v63  }
0x93: {  	_ =	swait.ge [sflag:s15], $0x800  }
0x94: {  	[sflag:s15] =	ssyncset.done $0x0  }
0x95: {  	[sflag:s15] =	ssyncadd.s32 $0xFFFFF800  }
0x96: {  	[spmem:s1] =	stream.indirect.scatter.add.f32 [tilespmem:s26], [sflag:$0x2], $0x40, s8, s19, $0xb8;
	[tilespmem:$0x1B000] =	vst v63  }
0x97: {  	_ =	swait.ge [sflag:s15], $0x2000  }
0x98: {  	[sflag:s15] =	ssyncset.done $0x0  }
0x99: {  	[sflag:s15] =	ssyncadd.s32 $0xFFFFE000  }
0x9a: {  	[spmem:s2] =	stream.indirect.scatter.add.f32 [tilespmem:s17], [sflag:$0x2], $0x10, s8, s19, $0xb8;
	[tilespmem:$0x1B000] =	vst v63  }
0x9b: {  	_ =	swait.ge [sflag:s15], $0x800  }
0x9c: {  	[sflag:s15] =	ssyncset.done $0x0  }
0x9d: {  	[sflag:s15] =	ssyncadd.s32 $0xFFFFF800  }
0x9e: {  	[spmem:s1] =	stream.indirect.scatter.add.f32 [tilespmem:s29], [sflag:$0x2], $0x40, s10, s19, $0xb8;
	[tilespmem:$0x1B000] =	vst v63  }
0x9f: {  	_ =	swait.ge [sflag:s15], $0x2000  }
0xa0: {  	[sflag:s15] =	ssyncset.done $0x0  }
0xa1: {  	[sflag:s15] =	ssyncadd.s32 $0xFFFFE000  }
0xa2: {  	[spmem:s2] =	stream.indirect.scatter.add.f32 [tilespmem:s17], [sflag:$0x2], $0x10, s10, s19, $0xb8;
	[tilespmem:$0x1B000] =	vst v63  }
0xa3: {  	s12 =	simm.s32 $0x80;
	_ =	swait.ge [sflag:s15], $0x800  }
.LBB2_2:
0xa4: {  	s16 =	rddreg [dreg:$0x9];
	s14 =	smov.u32 s12;
	[sflag:s15] =	ssyncset.done $0x0  }
0xa5: {  	s16 =	sadd.s32 s14, s16;
	[sflag:s15] =	ssyncadd.s32 $0xFFFFF800  }
0xa6: {  	[tilespmem:s4], [sflag:$0x2] =	stream.linear.gather [hbm4b:s16+s4], $0x400, $0x38;
	[tilespmem:$0x1B000] =	vst v63  }
0xa7: {  	_ =	swait.ge [sflag:s15], $0x400  }
0xa8: {  	s16 =	rddreg [dreg:$0x8];
	[sflag:s15] =	ssyncset.done $0x0  }
0xa9: {  	[sflag:s15] =	ssyncadd.s32 $0xFFFFFC00;
	s14 =	sadd.s32 s14, s16  }
0xaa: {  	[tilespmem:s18], [sflag:$0x2] =	stream.linear.gather [hbm4b:s14+s4], $0x400, $0x38;
	[tilespmem:$0x1B000] =	vst v63  }
0xab: {  	_ =	swait.ge [sflag:s15], $0x400  }
0xac: {  	[sflag:s15] =	ssyncset.done $0x0  }
0xad: {  	[sflag:s15] =	ssyncadd.s32 $0xFFFFFC00  }
0xae: {  	[tilespmem:s20], [sflag:$0x1] =	stream.indirect.gather [hbm4b:s5+s19], $0x40, s4, s19, $0xb8;
	[tilespmem:$0x1B000] =	vst v63  }
0xaf: {  	_ = 	snop  }
0xb0: {  	[tilespmem:s21], [sflag:$0x1] =	stream.indirect.gather [hbm4b:s5+s19], $0x40, s19, s19, $0xb8;
	[tilespmem:$0x1B000] =	vst v63  }
0xb1: {  	s14 =	rddreg [dreg:$0xa]  }
0xb2: {  	[tilespmem:s22], [sflag:$0x1] =	stream.indirect.gather [hbm4b:s5+s19], $0x40, s14, s19, $0xb8;
	[tilespmem:$0x1B000] =	vst v63  }
0xb3: {  	s16 =	rddreg [dreg:$0xb]  }
0xb4: {  	[tilespmem:s23], [sflag:$0x1] =	stream.indirect.gather [hbm4b:s5+s19], $0x40, s16, s19, $0xb8;
	[tilespmem:$0x1B000] =	vst v63  }
0xb5: {  	s14 =	rddreg [dreg:$0xc]  }
0xb6: {  	[tilespmem:s24], [sflag:$0x1] =	stream.indirect.gather [hbm4b:s5+s19], $0x40, s14, s19, $0xb8;
	[tilespmem:$0x1B000] =	vst v63  }
0xb7: {  	s16 =	rddreg [dreg:$0xd]  }
0xb8: {  	[tilespmem:s25], [sflag:$0x1] =	stream.indirect.gather [hbm4b:s5+s19], $0x40, s16, s19, $0xb8;
	[tilespmem:$0x1B000] =	vst v63  }
0xb9: {  	s14 =	rddreg [dreg:$0xe]  }
0xba: {  	[tilespmem:s26], [sflag:$0x1] =	stream.indirect.gather [hbm4b:s5+s19], $0x40, s14, s19, $0xb8;
	[tilespmem:$0x1B000] =	vst v63  }
0xbb: {  	_ = 	snop  }
0xbc: {  	[tilespmem:s29], [sflag:$0x1] =	stream.indirect.gather [hbm4b:s5+s19], $0x40, s28, s19, $0xb8;
	[tilespmem:$0x1B000] =	vst v63  }
0xbd: {  	_ =	swait.ge [sflag:s30], $0x2000  }
0xbe: {  	[sflag:s30] =	ssyncset.done $0x0  }
0xbf: {  	[sflag:s30] =	ssyncadd.s32 $0xFFFFE000  }
0xc0: {  	_ =	swait.ge [sflag:s30], $0x2000  }
0xc1: {  	[sflag:s30] =	ssyncset.done $0x0  }
0xc2: {  	[sflag:s30] =	ssyncadd.s32 $0xFFFFE000  }
0xc3: {  	_ =	swait.ge [sflag:s30], $0x2000  }
0xc4: {  	[sflag:s30] =	ssyncset.done $0x0  }
0xc5: {  	[sflag:s30] =	ssyncadd.s32 $0xFFFFE000  }
0xc6: {  	_ =	swait.ge [sflag:s30], $0x2000  }
0xc7: {  	[sflag:s30] =	ssyncset.done $0x0  }
0xc8: {  	[sflag:s30] =	ssyncadd.s32 $0xFFFFE000  }
0xc9: {  	_ =	swait.ge [sflag:s30], $0x2000  }
0xca: {  	[sflag:s30] =	ssyncset.done $0x0  }
0xcb: {  	[sflag:s30] =	ssyncadd.s32 $0xFFFFE000  }
0xcc: {  	_ =	swait.ge [sflag:s30], $0x2000  }
0xcd: {  	[sflag:s30] =	ssyncset.done $0x0  }
0xce: {  	[sflag:s30] =	ssyncadd.s32 $0xFFFFE000  }
0xcf: {  	_ =	swait.ge [sflag:s30], $0x2000  }
0xd0: {  	[sflag:s30] =	ssyncset.done $0x0  }
0xd1: {  	[sflag:s30] =	ssyncadd.s32 $0xFFFFE000  }
0xd2: {  	_ =	swait.ge [sflag:s30], $0x2000  }
0xd3: {  	[sflag:s30] =	ssyncset.done $0x0  }
0xd4: {  	s13 =	sadd.s32 $0x2000, s13;
	[sflag:s30] =	ssyncadd.s32 $0xFFFFE000  }
0xd5: {  	[hbm4b:s13+s4] =	stream.linear.scatter [tilespmem:s20], [sflag:$0x2], $0x10000, $0x38;
	[tilespmem:$0x1B000] =	vst v63  }
0xd6: {  	_ =	swait.ge [sflag:s15], $0x10000  }
0xd7: {  	[sflag:s15] =	ssyncset.done $0x0  }
0xd8: {  	[sflag:s15] =	ssyncadd.s32 $0xFFFF0000  }
0xd9: {  	[spmem:s1] =	stream.indirect.scatter.add.f32 [tilespmem:s20], [sflag:$0x2], $0x40, s18, s19, $0xb8;
	[tilespmem:$0x1B000] =	vst v63  }
0xda: {  	_ =	swait.ge [sflag:s15], $0x2000  }
0xdb: {  	[sflag:s15] =	ssyncset.done $0x0  }
0xdc: {  	[sflag:s15] =	ssyncadd.s32 $0xFFFFE000  }
0xdd: {  	[spmem:s2] =	stream.indirect.scatter.add.f32 [tilespmem:s17], [sflag:$0x2], $0x10, s18, s19, $0xb8;
	[tilespmem:$0x1B000] =	vst v63  }
0xde: {  	_ =	swait.ge [sflag:s15], $0x800  }
0xdf: {  	[sflag:s15] =	ssyncset.done $0x0  }
0xe0: {  	[sflag:s15] =	ssyncadd.s32 $0xFFFFF800  }
0xe1: {  	[spmem:s1] =	stream.indirect.scatter.add.f32 [tilespmem:s21], [sflag:$0x2], $0x40, s31, s19, $0xb8;
	[tilespmem:$0x1B000] =	vst v63  }
0xe2: {  	_ =	swait.ge [sflag:s15], $0x2000  }
0xe3: {  	[sflag:s15] =	ssyncset.done $0x0  }
0xe4: {  	[sflag:s15] =	ssyncadd.s32 $0xFFFFE000  }
0xe5: {  	[spmem:s2] =	stream.indirect.scatter.add.f32 [tilespmem:s17], [sflag:$0x2], $0x10, s31, s19, $0xb8;
	[tilespmem:$0x1B000] =	vst v63  }
0xe6: {  	_ =	swait.ge [sflag:s15], $0x800  }
0xe7: {  	[sflag:s15] =	ssyncset.done $0x0  }
0xe8: {  	[sflag:s15] =	ssyncadd.s32 $0xFFFFF800  }
0xe9: {  	[spmem:s1] =	stream.indirect.scatter.add.f32 [tilespmem:s22], [sflag:$0x2], $0x40, s0, s19, $0xb8;
	[tilespmem:$0x1B000] =	vst v63  }
0xea: {  	_ =	swait.ge [sflag:s15], $0x2000  }
0xeb: {  	[sflag:s15] =	ssyncset.done $0x0  }
0xec: {  	[sflag:s15] =	ssyncadd.s32 $0xFFFFE000  }
0xed: {  	[spmem:s2] =	stream.indirect.scatter.add.f32 [tilespmem:s17], [sflag:$0x2], $0x10, s0, s19, $0xb8;
	[tilespmem:$0x1B000] =	vst v63  }
0xee: {  	_ =	swait.ge [sflag:s15], $0x800  }
0xef: {  	[sflag:s15] =	ssyncset.done $0x0  }
0xf0: {  	[sflag:s15] =	ssyncadd.s32 $0xFFFFF800  }
0xf1: {  	[spmem:s1] =	stream.indirect.scatter.add.f32 [tilespmem:s23], [sflag:$0x2], $0x40, s3, s19, $0xb8;
	[tilespmem:$0x1B000] =	vst v63  }
0xf2: {  	_ =	swait.ge [sflag:s15], $0x2000  }
0xf3: {  	[sflag:s15] =	ssyncset.done $0x0  }
0xf4: {  	[sflag:s15] =	ssyncadd.s32 $0xFFFFE000  }
0xf5: {  	[spmem:s2] =	stream.indirect.scatter.add.f32 [tilespmem:s17], [sflag:$0x2], $0x10, s3, s19, $0xb8;
	[tilespmem:$0x1B000] =	vst v63  }
0xf6: {  	_ =	swait.ge [sflag:s15], $0x800  }
0xf7: {  	[sflag:s15] =	ssyncset.done $0x0  }
0xf8: {  	[sflag:s15] =	ssyncadd.s32 $0xFFFFF800  }
0xf9: {  	[spmem:s1] =	stream.indirect.scatter.add.f32 [tilespmem:s24], [sflag:$0x2], $0x40, s6, s19, $0xb8;
	[tilespmem:$0x1B000] =	vst v63  }
0xfa: {  	_ =	swait.ge [sflag:s15], $0x2000  }
0xfb: {  	[sflag:s15] =	ssyncset.done $0x0  }
0xfc: {  	[sflag:s15] =	ssyncadd.s32 $0xFFFFE000  }
0xfd: {  	[spmem:s2] =	stream.indirect.scatter.add.f32 [tilespmem:s17], [sflag:$0x2], $0x10, s6, s19, $0xb8;
	[tilespmem:$0x1B000] =	vst v63  }
0xfe: {  	_ =	swait.ge [sflag:s15], $0x800  }
0xff: {  	[sflag:s15] =	ssyncset.done $0x0  }
0x100: {  	[sflag:s15] =	ssyncadd.s32 $0xFFFFF800  }
0x101: {  	[spmem:s1] =	stream.indirect.scatter.add.f32 [tilespmem:s25], [sflag:$0x2], $0x40, s7, s19, $0xb8;
	[tilespmem:$0x1B000] =	vst v63  }
0x102: {  	_ =	swait.ge [sflag:s15], $0x2000  }
0x103: {  	[sflag:s15] =	ssyncset.done $0x0  }
0x104: {  	[sflag:s15] =	ssyncadd.s32 $0xFFFFE000  }
0x105: {  	[spmem:s2] =	stream.indirect.scatter.add.f32 [tilespmem:s17], [sflag:$0x2], $0x10, s7, s19, $0xb8;
	[tilespmem:$0x1B000] =	vst v63  }
0x106: {  	_ =	swait.ge [sflag:s15], $0x800  }
0x107: {  	[sflag:s15] =	ssyncset.done $0x0  }
0x108: {  	[sflag:s15] =	ssyncadd.s32 $0xFFFFF800  }
0x109: {  	[spmem:s1] =	stream.indirect.scatter.add.f32 [tilespmem:s26], [sflag:$0x2], $0x40, s8, s19, $0xb8;
	[tilespmem:$0x1B000] =	vst v63  }
0x10a: {  	_ =	swait.ge [sflag:s15], $0x2000  }
0x10b: {  	[sflag:s15] =	ssyncset.done $0x0  }
0x10c: {  	[sflag:s15] =	ssyncadd.s32 $0xFFFFE000  }
0x10d: {  	[spmem:s2] =	stream.indirect.scatter.add.f32 [tilespmem:s17], [sflag:$0x2], $0x10, s8, s19, $0xb8;
	[tilespmem:$0x1B000] =	vst v63  }
0x10e: {  	_ =	swait.ge [sflag:s15], $0x800  }
0x10f: {  	[sflag:s15] =	ssyncset.done $0x0  }
0x110: {  	p0 =	sne.s32 s12, $0xC00;
	[sflag:s15] =	ssyncadd.s32 $0xFFFFF800  }
0x111: {  	[spmem:s1] =	stream.indirect.scatter.add.f32 [tilespmem:s29], [sflag:$0x2], $0x40, s10, s19, $0xb8;
	[tilespmem:$0x1B000] =	vst v63  }
.Ltmp0:
0x112: {  	_ =	swait.ge [sflag:s15], $0x2000;
	(pc) =	sbr.rel @p0 .LBB2_2-.Ltmp0, $4  }
0x113: {  	[sflag:s15] =	ssyncset.done $0x0  }
0x114: {  	[sflag:s15] =	ssyncadd.s32 $0xFFFFE000  }
0x115: {  	[spmem:s2] =	stream.indirect.scatter.add.f32 [tilespmem:s17], [sflag:$0x2], $0x10, s10, s19, $0xb8;
	[tilespmem:$0x1B000] =	vst v63  }
0x116: {  	s12 =	sadd.s32 $0x80, s12;
	_ =	swait.ge [sflag:s15], $0x800  }
0x117: {  	[sflag:s15] =	ssyncset.done $0x0  }
0x118: {  	[sflag:s15] =	ssyncadd.s32 $0xFFFFF800  }
0x119: {  	[bflag:$0x0] =	sbarrier.arrive $0xFFFF  }
0x11a: {  	s12 =	rddreg [dreg:$0x12]  }
0x11b: {  	s13 =	rddreg [dreg:$0x16]  }
0x11c: {  	[hbm:s12], [sflag:s9] =	dma.local [spmem:s13], $0x1000  }
0x11d: {  	_ =	swait.ge [sflag:s15], $0x1000  }
0x11e: {  	[sflag:s15] =	ssyncset.done $0x0;
	s16 =	rddreg [dreg:$0x13]  }
0x11f: {  	s14 =	rddreg [dreg:$0x17];
	[sflag:s15] =	ssyncadd.s32 $0xFFFFF000  }
0x120: {  	[hbm:s16], [sflag:s9] =	dma.local [spmem:s14], $0x400  }
0x121: {  	_ =	swait.ge [sflag:s15], $0x400  }
0x122: {  	s11 =	sadd.s32 $0x1, s11;
	s16 =	rddreg [dreg:$0x14]  }
0x123: {  	p0 =	sne.s32 s11, s16  }
.Ltmp1:
0x124: {  	_ = 	snop;
	(pc) =	sbr.rel @p0 .LBB2_1-.Ltmp1, $3  }
0x125: {  	_ =	sdelay $0x1  }
0x126: {  	[sflag:s15] =	ssyncset.done $0x0  }
0x127: {  	[sflag:s15] =	ssyncadd.s32 $0xFFFFFC00  }
0x128: {  	_ =	sfence.sel $0x180000  }
0x129: {  	[bflag:$0x0] =	sbarrier.arrive $0xFFFF  }
0x12a: {  	_ =	strace $0x90000047  }
0x12b: {  	s0 =	stileid.u32;
	[bflag:$0x2] =	sbarrier.arrive $0xFFFF  }
0x12c: {  	p0 =	sne.s32 s0, $0x0;
	s0 =	rddreg [dreg:$0x7]  }
0x12d: {  	s0 =	sadd.s32 @!p0 $0x100000, s0  }
0x12e: {  	[sflag:s0] =	ssyncadd.tile.s32 @!p0 $0x1;
	_ =	shalt  }
.Lfunc_end2:
_tile_overlayer_lowered:
.L_overlay_start_2:
0x12f: {  	(tag) =	ssettag $0x2  }
0x130: {  	s0 =	rddreg [dreg:$0x0];
	s2 =	stileid.u32  }
0x131: {  	s1 =	rddreg [dreg:$0x1];
	p0 =	sne.s32 s2, $0x0  }
0x132: {  	s3 =	rddreg [dreg:$0x2];
	[bflag:$0x3] =	sbarrier.arrive $0xFFFF;
	s2 =	simm.s32 @!p0 $0x1C02  }
0x133: {  	[timem:s3], [sflag:s2] =	dma.local @!p0 [hbm:s0], s1  }
0x134: {  	s0 =	simm.s32 @!p0 $0x2  }
0x135: {  	_ =	swait.ge @!p0 [sflag:s0], s1  }
0x136: {  	s1 =	ssub.s32 @!p0 $0x0, s1;
	[sflag:s0] =	ssyncset.done @!p0 $0x0  }
0x137: {  	[sflag:s0] =	ssyncadd.s32 @!p0 s1  }
0x138: {  	[bflag:$0x3] =	sbarrier.arrive $0xFFFF  }
0x139: {  	_ =	shalt  }

// kernel: sparse-core-data-format-call.cloned.1.call-start
scs
called_computation_lowered:
.L_overlay_start_0:
0x0: {  	s2 =	sld [smem:$0x3FD9]  }
0x1: {  	s3 =	sld [smem:$0x3FFE];
	_ =	sdelay $0x1  }
0x2: {  	s1 =	srdreg.scid  }
0x3: {  	s0 =	sand.u32 $0x1, s1  }
0x4: {  	s15 =	sshll.u32 s0, $0xA;
	s2 =	sadd.s32 s3, s2  }
0x5: {  	s2 =	sadd.s32 s2, s15  }
0x6: {  	[smem:$0x3FC5] =	sst s2  }
0x7: {  	_ = 	snop  }
0x8: {  	s2 =	sld [smem:$0x3FD0];
	_ =	sdelay $0x2  }
0x9: {  	s16 =	simm.s32 $0xA;
	s4 =	simm.s32 $0x10  }
0xa: {  	[smem:s4], [sflag:s16] =	dma.local [hbm:s2], $0x1  }
0xb: {  	_ =	swait.eq [sflag:s16], $0x1  }
0xc: {  	[sflag:s16] =	ssyncset.done $0x0  }
0xd: {  	[sflag:s16] =	ssyncadd.s32 $0xFFFFFFFF  }
0xe: {  	s17 =	sld [smem:$0x10];
	(tm) =	ssettm $0x1  }
0xf: {  	s18 =	sld [smem:$0x3FFB];
	_ =	sdelay $0x3  }
0x10: {  	_ =	strace s18  }
0x11: {  	s3 =	sld [smem:$0x3FFC];
	_ =	sdelay $0x3  }
0x12: {  	_ =	strace s3  }
0x13: {  	s3 =	sld [smem:$0x3FFD];
	_ =	sdelay $0x3  }
0x14: {  	_ =	strace s3  }
0x15: {  	_ =	strace $0x8FFFFFFF  }
0x16: {  	s19 =	sld [smem:$0x3FDB];
	_ =	sdelay $0x1  }
0x17: {  	s20 =	simm.s32 $_scs_section_size  }
0x18: {  	s5 =	simm.s32 $_size__tile_overlayer_lowered;
	s6 =	simm.s32 $_tile_overlayer_lowered  }
0x19: {  	s23 =	simm.s32 $0x1BFF;
	s22 =	sshll.u32 s6, $0x1;
	s3 =	sadd.s32 s20, s19  }
0x1a: {  	s7 =	simm.s32 $0x0;
	s21 =	sshll.u32 s5, $0x1;
	s5 =	sadd.s32 s22, s3  }
0x1b: {  	[timem:s7], [sflag:s23] =	dma.local [hbm:s5], s21  }
0x1c: {  	_ =	swait.ge [sflag:s23], s21  }
0x1d: {  	s4 =	ssub.s32 $0x0, s21;
	[sflag:s23] =	ssyncset.done $0x0  }
0x1e: {  	[sflag:s23] =	ssyncadd.s32 s4;
	_ =	sdelay $0x1  }
0x1f: {  	s24 =	simm.s32 $0x1B8B  }
0x20: {  	_ =	swait.ge [sflag:s24], $0x1  }
0x21: {  	[sflag:s24] =	ssyncset.done $0x0  }
0x22: {  	s26 =	simm.s32 $0x1B8E;
	s25 =	sld [smem:$0x3FFE];
	[sflag:s24] =	ssyncadd.s32 $0xFFFFFFFF  }
0x23: {  	s27 =	simm.s32 $execute0_lowered;
	[smem:$0x3FD2] =	sst s26  }
0x24: {  	s5 =	sshll.u32 s27, $0x1;
	_ =	strace $0x80000049;
	[dreg:$0x1] =	wrdreg $0xFFFFFFFF  }
0x25: {  	s28 =	simm.s32 $_size_execute0_lowered;
	s3 =	sadd.s32 s3, s5;
	[dreg:$0x0] =	wrdreg $0x0  }
0x26: {  	s5 =	sshll.u32 s28, $0x1;
	[dreg:$0x2] =	wrdreg s3  }
0x27: {  	[dreg:$0x3] =	wrdreg s5  }
0x28: {  	[dreg:$0x4] =	wrdreg $0xC0  }
0x29: {  	_ =	task [dreg:s7], $0x5FFFF  }
0x2a: {  	[dreg:$0x1] =	wrdreg $0xFFFFFFFF  }
0x2b: {  	[dreg:$0x0] =	wrdreg $0x60  }
0x2c: {  	[dreg:$0x2] =	wrdreg s25  }
0x2d: {  	[dreg:$0x3] =	wrdreg s17  }
0x2e: {  	[dreg:$0x4] =	wrdreg $0x9  }
0x2f: {  	_ =	task.clear_ibuf [dreg:s7], $0x5FFFF;
	_ =	strace $0x90000049  }
0x30: {  	s29 =	simm.s32 $0x9;
	_ =	strace $0x8000004B  }
0x31: {  	_ =	swait.ge [sflag:s29], $0x1  }
0x32: {  	[sflag:s29] =	ssyncadd.s32 $0xFFFFFFFF  }
0x33: {  	_ =	strace $0x9000004B  }
0x34: {  	_ =	sfence  }
0x35: {  	s30 =	sld [smem:$0x0];
	_ =	sdelay $0x2  }
0x36: {  	s31 =	sshll.u32 s1, $0xD;
	s1 =	sshrl.u32 s1, $0x2  }
0x37: {  	s3 =	sand.u32 $0x4000, s31;
	s1 =	sadd.s32 s1, s30  }
0x38: {  	s0 =	sor.u32 s3, s0;
	s1 =	sshll.u32 s1, $0x11  }
0x39: {  	s0 =	sor.u32 s1, s0  }
0x3a: {  	s0 =	sadd.s32 $0x8F2B, s0  }
0x3b: {  	[sflag:s0] =	ssyncadd.remote.s32 $0x1  }
0x3c: {  	_ =	sfence.sel $0xFFFF  }
0x3d: {  	[dreg:$0x0] =	wrdreg $0xFFFFFFFF;
	(pc) =	sbr.abs _section_cstart, $3  }
0x3e: {  	[dreg:$0x1] =	wrdreg $0xFFFFFFFF  }
0x3f: {  	_ =	task.clear_ibuf [dreg:s7], $0x2FFFF;
	_ =	strace $0x9FFFFFFF  }
0x40: {  	(tm) =	ssettm $0x7FFFFFFF  }
0x41: {  	_ =	shalt  }
tec
execute0_lowered:
.L_overlay_start_1:
0x0: {  	(tag) =	ssettag $0x1  }
0x1: {  	s0 =	srdreg.scid  }
0x2: {  	s1 =	sshll.u32 s0, $0x4  }
0x3: {  	s4 =	rddreg [dreg:$0x0];
	s0 =	stileid.u32;
	s1 =	sand.u32 $0x10, s1  }
0x4: {  	s2 =	rddreg [dreg:$0x1];
	s7 =	simm.s32 $0x1;
	s1 =	sor.u32 s0, s1  }
0x5: {  	s8 =	simm.s32 $0x2;
	s11 =	simm.s32 $0x0;
	s3 =	sshll.u32 s1, $0x7  }
0x6: {  	s10 =	simm.s32 $0x0;
	s4 =	sadd.s32 $0x22800, s4;
	s6 =	ssub.s32 $0xC8000, s3  }
.Ltmp0:
0x7: {  	s1 =	rddreg [dreg:$0x2];
	s5 =	sand.u32 $0xF80, s6;
	(pc) =	sbr.rel .LBB1_1-.Ltmp0, $4  }
0x8: {  	_ =	strace $0x8000004A;
	s9 =	smov.u32 s3;
	p0 =	sne.s32 s5, $0x0  }
0x9: {  	s6 =	sshrl.u32 s6, $0xC;
	s5 =	simm.s32 $0x1;
	s7 =	simm.s32 @!p0 $0x0  }
0xa: {  	[sflag:s5] =	ssyncpa.u1 $0x0;
	p0 =	por $0x0, $0x0;
	s6 =	sadd.s32 s7, s6  }
0xb: {  	[sflag:s8] =	ssyncpa.u1 $0x0;
	s8 =	simm.s32 $0x640000;
	s7 =	sadd.s32 $0x1, s6  }
.LBB1_4:
0xc: {  	s14 =	sshll.u32 s11, $0x3  }
0xd: {  	s30 =	sand.u32 $0x7F, s11;
	s15 =	sand.u32 $0xFFFFFC00, s14  }
0xe: {  	s11 =	sor.u32 s30, s15  }
0xf: {  	s15 =	smulhi.u32 $0x51EB851F, s11  }
0x10: {  	s14 =	smulhi.u32 $0x51EB851F, s14  }
0x11: {  	s15 =	sshrl.u32 s15, $0x12  }
0x12: {  	s14 =	sshrl.u32 s14, $0x12;
	s15 =	smul.u32 $0xC8000, s15  }
0x13: {  	s14 =	sand.u32 $0x3F, s14  }
0x14: {  	s14 =	smul.u32 $0x19000, s14;
	s11 =	ssub.s32 s11, s15  }
0x15: {  	[tilespmem:s13+$0x810 ss:$0x81] =	vst.msk $0xffff, v2;
	s15 =	sand.u32 $0x7, s11  }
0x16: {  	[tilespmem:s13+$0x1020 ss:$0x81] =	vst.msk $0xffff, v0;
	s14 =	sadd.s32 s2, s14;
	s11 =	sshrl.u32 s11, $0x3;
	s15 =	sshll.u32 s15, $0x12  }
0x17: {  	[tilespmem:s13+$0x0 ss:$0x81] =	vst.msk $0xffff, v1;
	s11 =	sadd.s32 s11, s14;
	s31 =	sor.u32 $0x400, s15  }
0x18: {  	[hbm4b:s11+s31] =	stream.strided.scatter [tilespmem:s12], [sflag:$0x2], $0x2000, s8, s31, $0x20;
	[tilespmem:$0x8080] =	vst v63  }
.LBB1_5:
0x19: {  	s13 =	sadd.s32 $0x1000, s9  }
0x1a: {  	p2 =	sgt.s32 s13, $0xC7FFF  }
0x1b: {  	s13 =	smov.u32 @p2 s3;
	p2 =	sne.s32 s10, s7  }
.Ltmp1:
0x1c: {  	p1 =	slt.u32 s10, $0x2;
	(pc) =	sbr.rel @!p2 .LBB1_6-.Ltmp1, $4  }
0x1d: {  	s12 =	simm.s32 @!p1 $0x2  }
0x1e: {  	s14 =	sadd.s32 $0x1, s10;
	_ =	swait.ge @!p1 [sflag:s12], $0x2000  }
0x1f: {  	s11 =	smov.u32 s9;
	p0 =	por !p0, !p0;
	[sflag:s12] =	ssyncset.done @!p1 $0x0  }
0x20: {  	s10 =	smov.u32 s14;
	s9 =	smov.u32 s13;
	[sflag:s12] =	ssyncadd.s32 @!p1 $0xFFFFE000  }
.LBB1_1:
0x21: {  	p1 =	sge.u32 s10, s6  }
0x22: {  	s12 =	sand.u32 @!p1 $0x1FFFFFF, s9  }
0x23: {  	s13 =	smulhi.u32 @!p1 $0x147AE15, s12;
	_ =	sdelay $0x1  }
0x24: {  	s13 =	sshrl.u32 @!p1 s13, $0xC  }
0x25: {  	s13 =	smul.u32 @!p1 $0xC8000, s13;
	_ =	sdelay $0x1  }
0x26: {  	s31 =	sadd.s32 $0xFFFFFFFF, s10;
	s14 =	sxor.u32 @!p1 $0xFFFFFFFF, s10;
	s12 =	ssub.s32 @!p1 s12, s13  }
0x27: {  	s15 =	simm.s32 @!p1 $0x80;
	s14 =	sshll.u32 @!p1 s14, $0xD;
	s12 =	sshll.u32 @!p1 s12, $0x4  }
0x28: {  	s13 =	sand.u32 @!p1 $0x2000, s14;
	s14 =	simm.s32 @!p1 $0x40;
	s12 =	sadd.s32 @!p1 s4, s12  }
0x29: {  	[tilespmem:s13], [sflag:$0x1] =	stream.strided.gather @!p1 [hbm4b:s12+s14], $0x2000, s15, s14, $0x38;
	[tilespmem:$0x8080] =	vst v63  }
0x2a: {  	p1 =	sge.u32 s31, s6  }
.Ltmp2:
0x2b: {  	_ = 	snop;
	(pc) =	sbr.rel @p1 .LBB1_5-.Ltmp2, $1  }
0x2c: {  	_ =	sdelay $0x3  }
0x2d: {  	s12 =	simm.s32 $0x1  }
0x2e: {  	_ =	swait.ge [sflag:s5], $0x2000;
	s12 =	simm.s32 @!p0 $0x0  }
0x2f: {  	[sflag:s5] =	ssyncset.done $0x0;
	s13 =	sshll.u32 s12, $0xD  }
0x30: {  	[sflag:s5] =	ssyncadd.s32 $0xFFFFE000;
	s16 =	sor.u32 $0x20, s13  }
0x31: {  	s12 =	smul.u32 $0x8100, s12;
	v3 =	vld [tilespmem:s16+$0x10]  }
0x32: {  	s30 =	sand.u32 $0x1, s10;
	v2 =	vld [tilespmem:s16+$0xFFFFFFF0]  }
0x33: {  	s13 =	smul.u32 $0x8100, s30;
	s12 =	sshrl.u32 s12, $0x2;
	v0 =	vld [tilespmem:s16+$0x0]  }
0x34: {  	v1 =	vld [tilespmem:s16+$0xFFFFFFE0];
	s14 =	sor.u32 $0x4000, s12  }
0x35: {  	s31 =	sshrl.u32 s13, $0x2;
	s13 =	sadd.s32 $0x0, s14  }
0x36: {  	s15 =	simm.s32 $0x4;
	s16 =	sadd.s32 $0x40, s16;
	s12 =	sor.u32 $0x4000, s31;
	[tilespmem:s13+$0x1830 ss:$0x81] =	vst.msk $0xffff, v3  }
.LBB1_3:
0x37: {  	v3 =	vld [tilespmem:s16+$0x10];
	p1 =	sne.s32 s15, $0x1FC;
	[tilespmem:s13+$0x810 ss:$0x81] =	vst.msk $0xffff, v2;
	s17 =	smov.u32 s15;
	s15 =	sadd.s32 $0x4, s15  }
.Ltmp3:
0x38: {  	v2 =	vld [tilespmem:s16+$0xFFFFFFF0];
	[tilespmem:s13+$0x1020 ss:$0x81] =	vst.msk $0xffff, v0;
	(pc) =	sbr.rel @p1 .LBB1_3-.Ltmp3, $4  }
0x39: {  	v0 =	vld [tilespmem:s16+$0x0];
	[tilespmem:s13+$0x0 ss:$0x81] =	vst.msk $0xffff, v1  }
0x3a: {  	s13 =	sshra.s32 s17, $0x2;
	v1 =	vld [tilespmem:s16+$0xFFFFFFE0]  }
0x3b: {  	s13 =	sadd.s32 s13, s14  }
0x3c: {  	s16 =	sadd.s32 $0x40, s16;
	[tilespmem:s13+$0x1830 ss:$0x81] =	vst.msk $0xffff, v3  }
.Ltmp4:
0x3d: {  	_ = 	snop;
	(pc) =	sbr.rel .LBB1_4-.Ltmp4, $1  }
0x3e: {  	_ =	sdelay $0x3  }
.LBB1_6:
0x3f: {  	_ =	sfence.sel $0x180000  }
0x40: {  	s2 =	simm.s32 $0x1;
	[bflag:$0x0] =	sbarrier.arrive $0xFFFF  }
0x41: {  	s31 =	simm.s32 $0x2;
	[sflag:s2] =	ssyncpa.u1 $0x1  }
0x42: {  	[sflag:s31] =	ssyncpa.u1 $0x1  }
0x43: {  	p0 =	sne.s32 s0, $0x0;
	_ =	strace $0x9000004A  }
0x44: {  	s0 =	sadd.s32 @!p0 $0x100000, s1;
	[bflag:$0x2] =	sbarrier.arrive $0xFFFF  }
0x45: {  	[sflag:s0] =	ssyncadd.tile.s32 @!p0 $0x1;
	_ =	shalt  }
.Lfunc_end1:
_tile_overlayer_lowered:
.L_overlay_start_2:
0x46: {  	(tag) =	ssettag $0x2  }
0x47: {  	s0 =	rddreg [dreg:$0x0];
	s2 =	stileid.u32  }
0x48: {  	s1 =	rddreg [dreg:$0x1];
	p0 =	sne.s32 s2, $0x0  }
0x49: {  	s3 =	rddreg [dreg:$0x2];
	[bflag:$0x3] =	sbarrier.arrive $0xFFFF;
	s2 =	simm.s32 @!p0 $0x1C01  }
0x4a: {  	[timem:s3], [sflag:s2] =	dma.local @!p0 [hbm:s0], s1  }
0x4b: {  	s0 =	simm.s32 @!p0 $0x1  }
0x4c: {  	_ =	swait.ge @!p0 [sflag:s0], s1  }
0x4d: {  	s1 =	ssub.s32 @!p0 $0x0, s1;
	[sflag:s0] =	ssyncset.done @!p0 $0x0  }
0x4e: {  	[sflag:s0] =	ssyncadd.s32 @!p0 s1  }
0x4f: {  	[bflag:$0x3] =	sbarrier.arrive $0xFFFF  }
0x50: {  	_ =	shalt  }

</sc_bundles>
